<compile_context>
chip_gen: v7x
topology: tpu7x:2x2x1
jax: 0.10.2.dev20260603
libtpu: 0.0.44.dev20260713+nightly
codegen_flags: <defaults>
</compile_context>

<pallas_src>
import functools

import jax
import jax.numpy as jnp
from jax import lax
from jax.experimental import pallas as pl
from jax.experimental.pallas import tpu as pltpu
from jax.experimental.pallas import tpu_sc as plsc

_NC = 2
_NS = 16
_B = 80


def _sc_segment_relu_sum(h, ea, src, dst, zrows):
    N, D = h.shape
    E = src.shape[0]
    NW = _NC * _NS
    EW = E // NW
    NCHUNK = EW // _B
    ROWS_T = (N // _NS) // 8 * 8
    REM = N - ROWS_T * _NS
    assert EW * NW == E and NCHUNK * _B == EW and REM % 8 == 0

    mesh = plsc.VectorSubcoreMesh(core_axis_name="c", subcore_axis_name="s")

    @functools.partial(
        pl.kernel,
        out_type=jax.ShapeDtypeStruct((_NC, N, D), jnp.float32),
        mesh=mesh,
        scratch_types=[
            pltpu.VMEM((_B,), jnp.int32),
            pltpu.VMEM((_B,), jnp.int32),
            pltpu.VMEM((_B, D), jnp.float32),
            pltpu.VMEM((_B, D), jnp.float32),
            pltpu.VMEM_SHARED((N, D), jnp.float32),
            pltpu.SemaphoreType.DMA,
            pltpu.SemaphoreType.DMA,
        ],
    )
    def agg_kernel(h_hbm, ea_hbm, src_hbm, dst_hbm, z_hbm, out_hbm,
                   sidx, didx, gbuf, ebuf, acc, sem_g, sem_e):
        cid = lax.axis_index("c")
        sid = lax.axis_index("s")
        wid = sid * _NC + cid

        r0 = sid * ROWS_T
        pltpu.sync_copy(z_hbm.at[pl.ds(r0, ROWS_T)], acc.at[pl.ds(r0, ROWS_T)])

        @pl.when(sid == _NS - 1)
        def _():
            rr = _NS * ROWS_T
            pltpu.sync_copy(z_hbm.at[pl.ds(rr, REM)], acc.at[pl.ds(rr, REM)])

        plsc.subcore_barrier()

        def chunk_body(j, carry):
            base = wid * EW + j * _B
            pltpu.sync_copy(src_hbm.at[pl.ds(base, _B)], sidx)
            pltpu.sync_copy(dst_hbm.at[pl.ds(base, _B)], didx)
            cg = pltpu.async_copy(h_hbm.at[sidx], gbuf, sem_g)
            ce = pltpu.async_copy(ea_hbm.at[pl.ds(base, _B)], ebuf, sem_e)
            cg.wait()
            ce.wait()

            def row_body(r, c):
                for k in range(D // 16):
                    sl = pl.ds(k * 16, 16)
                    gbuf[r, sl] = jnp.maximum(gbuf[r, sl] + ebuf[r, sl], 0.0)
                return c

            lax.fori_loop(0, _B, row_body, 0)
            pltpu.sync_copy(gbuf, acc.at[didx], add=True)
            return carry

        lax.fori_loop(0, NCHUNK, chunk_body, 0)
        plsc.subcore_barrier()

        pltpu.sync_copy(acc.at[pl.ds(r0, ROWS_T)],
                        out_hbm.at[cid, pl.ds(r0, ROWS_T)])

        @pl.when(sid == _NS - 1)
        def _():
            rr = _NS * ROWS_T
            pltpu.sync_copy(acc.at[pl.ds(rr, REM)],
                            out_hbm.at[cid, pl.ds(rr, REM)])

    return agg_kernel(h, ea, src, dst, zrows)


def _ea_body(ea_ref, w1_ref, b1_ref, w2_ref, b2_ref, ea1_ref, ea2_ref):
    a1 = lax.dot_general(ea_ref[...], w1_ref[...],
                         (((1,), (1,)), ((), ())),
                         preferred_element_type=jnp.float32) + b1_ref[...]
    ea1_ref[...] = a1
    ea2_ref[...] = lax.dot_general(a1, w2_ref[...],
                                   (((1,), (1,)), ((), ())),
                                   preferred_element_type=jnp.float32) + b2_ref[...]


def _edge_features(edge_attr, W1, b1, W2, b2):
    E, DE = edge_attr.shape
    D = W1.shape[0]
    H = W2.shape[0]
    BE = 5000
    grid = E // BE
    return pl.pallas_call(
        _ea_body,
        grid=(grid,),
        in_specs=[
            pl.BlockSpec((BE, DE), lambda i: (i, 0)),
            pl.BlockSpec((D, DE), lambda i: (0, 0)),
            pl.BlockSpec((1, D), lambda i: (0, 0)),
            pl.BlockSpec((H, D), lambda i: (0, 0)),
            pl.BlockSpec((1, H), lambda i: (0, 0)),
        ],
        out_specs=[
            pl.BlockSpec((BE, D), lambda i: (i, 0)),
            pl.BlockSpec((BE, H), lambda i: (i, 0)),
        ],
        out_shape=[
            jax.ShapeDtypeStruct((E, D), jnp.float32),
            jax.ShapeDtypeStruct((E, H), jnp.float32),
        ],
    )(edge_attr, W1, b1.reshape(1, D), W2, b2.reshape(1, H))


def _node_body(h_ref, a0_ref, a1_ref, w_ref, b_ref, o_ref):
    s = h_ref[...] + a0_ref[...] + a1_ref[...]
    y = lax.dot_general(s, w_ref[...], (((1,), (1,)), ((), ())),
                        preferred_element_type=jnp.float32) + b_ref[...]
    o_ref[...] = jnp.where(y > 0, y, jnp.exp(y) - 1.0)


def _node_update(h, agg, W, b):
    N, D = h.shape
    H = W.shape[0]
    BN = 1000
    grid = N // BN
    return pl.pallas_call(
        _node_body,
        grid=(grid,),
        in_specs=[
            pl.BlockSpec((BN, D), lambda i: (i, 0)),
            pl.BlockSpec((BN, D), lambda i: (i, 0)),
            pl.BlockSpec((BN, D), lambda i: (i, 0)),
            pl.BlockSpec((H, D), lambda i: (0, 0)),
            pl.BlockSpec((1, H), lambda i: (0, 0)),
        ],
        out_specs=pl.BlockSpec((BN, H), lambda i: (i, 0)),
        out_shape=jax.ShapeDtypeStruct((N, H), jnp.float32),
    )(h, agg[0], agg[1], W, b.reshape(1, H))


def _head_body(h_ref, batch_ref, w1_ref, b1_ref, w2_ref, b2_ref, o_ref):
    G = o_ref.shape[0]
    N = h_ref.shape[0]
    gids = lax.broadcasted_iota(jnp.int32, (G, N), 0)
    onehot = (gids == batch_ref[...]).astype(jnp.float32)
    pooled = lax.dot_general(onehot, h_ref[...], (((1,), (0,)), ((), ())),
                             preferred_element_type=jnp.float32,
                             precision=lax.Precision.HIGHEST)
    p1 = lax.dot_general(pooled, w1_ref[...], (((1,), (1,)), ((), ())),
                         preferred_element_type=jnp.float32) + b1_ref[...]
    o_ref[...] = lax.dot_general(p1, w2_ref[...], (((1,), (1,)), ((), ())),
                                 preferred_element_type=jnp.float32) + b2_ref[...]


def _head(h, batch, Wo1, bo1, Wo2, bo2):
    N, H = h.shape
    G = 64
    C = Wo2.shape[0]
    Wo2p = jnp.zeros((128, H), jnp.float32).at[:C].set(Wo2)
    bo2p = jnp.zeros((1, 128), jnp.float32).at[0, :C].set(bo2)
    out = pl.pallas_call(
        _head_body,
        in_specs=[
            pl.BlockSpec((N, H), lambda: (0, 0)),
            pl.BlockSpec((1, N), lambda: (0, 0)),
            pl.BlockSpec((H, H), lambda: (0, 0)),
            pl.BlockSpec((1, H), lambda: (0, 0)),
            pl.BlockSpec((128, H), lambda: (0, 0)),
            pl.BlockSpec((1, 128), lambda: (0, 0)),
        ],
        out_specs=pl.BlockSpec((G, 128), lambda: (0, 0)),
        out_shape=jax.ShapeDtypeStruct((G, 128), jnp.float32),
    )(h, batch.reshape(1, N), Wo1, bo1.reshape(1, H), Wo2p, bo2p)
    return out[:, :C]


def kernel(x, edge_index, edge_attr, batch,
           W_ec1, b_ec1, W_ec2, b_ec2,
           W0, b0, W1, b1, W2, b2,
           Wo1, bo1, Wo2, bo2):
    N, D = x.shape
    src = edge_index[0]
    dst = edge_index[1]
    zrows = jnp.zeros((N, D), jnp.float32)

    ea1, ea2 = _edge_features(edge_attr, W_ec1, b_ec1, W_ec2, b_ec2)

    agg = _sc_segment_relu_sum(x, ea1, src, dst, zrows)
    h = _node_update(x, agg, W0, b0)
    agg = _sc_segment_relu_sum(h, ea2, src, dst, zrows)
    h = _node_update(h, agg, W1, b1)
    agg = _sc_segment_relu_sum(h, ea2, src, dst, zrows)
    h = _node_update(h, agg, W2, b2)

    return _head(h, batch, Wo1, bo1, Wo2, bo2)

# --- scband reference (transcript-rebuilt; emitter-appended) ---
"""Pipeline reference for scband-gineconv-binary-40235253629332 (READ-ONLY COPY).

The authoritative reference and input builder live on the scoring server;
editing this copy changes nothing except your own understanding.
"""

import jax, jax.numpy as jnp
import numpy as np

N = 10000
E = 320000
D = 128   # num_node_features
DE = 16   # num_edge_features
H = 128   # num_hidden
C = 2     # out_channels
G = 64    # num graphs in batch


def _lin(x, W, b):
    # torch nn.Linear convention: W has shape [out, in]
    return x @ W.T + b


def _gine_conv(x, src, dst, edge_attr, W, b, num_nodes):
    # PyG GINEConv with nn=Linear, eps=0:
    # out = Linear((1+eps)*x + sum_{j in N(i)} relu(x_j + e_ji))
    m = jax.nn.relu(x[src] + edge_attr)
    agg = jax.ops.segment_sum(m, dst, num_segments=num_nodes)
    return _lin(x + agg, W, b)


def setup_inputs(seed: int = 0) -> dict:
    key = jax.random.key(seed)
    ks = jax.random.split(key, 20)
    s = 0.05
    inp = {
        'x': jax.random.normal(ks[0], (N, D), jnp.float32),
        'edge_index': jax.random.randint(ks[1], (2, E), 0, N, dtype=jnp.int32),
        'edge_attr': jax.random.normal(ks[2], (E, DE), jnp.float32),
        'batch': jnp.sort(jax.random.randint(ks[3], (N,), 0, G, dtype=jnp.int32)),
        # parameters
        'W_ec1': jax.random.normal(ks[4], (D, DE), jnp.float32) * s,
        'b_ec1': jnp.zeros((D,), jnp.float32),
        'W_ec2': jax.random.normal(ks[5], (H, D), jnp.float32) * s,
        'b_ec2': jnp.zeros((H,), jnp.float32),
        'W0': jax.random.normal(ks[6], (H, D), jnp.float32) * s,
        'b0': jnp.zeros((H,), jnp.float32),
        'W1': jax.random.normal(ks[7], (H, H), jnp.float32) * s,
        'b1': jnp.zeros((H,), jnp.float32),
        'W2': jax.random.normal(ks[8], (H, H), jnp.float32) * s,
        'b2': jnp.zeros((H,), jnp.float32),
        'Wo1': jax.random.normal(ks[9], (H, H), jnp.float32) * s,
        'bo1': jnp.zeros((H,), jnp.float32),
        'Wo2': jax.random.normal(ks[10], (C, H), jnp.float32) * s,
        'bo2': jnp.zeros((C,), jnp.float32),
    }
    return inp


def reference(x, edge_index, edge_attr, batch,
              W_ec1, b_ec1, W_ec2, b_ec2,
              W0, b0, W1, b1, W2, b2,
              Wo1, bo1, Wo2, bo2):
    src = edge_index[0]
    dst = edge_index[1]
    n = x.shape[0]
    ea1 = _lin(edge_attr, W_ec1, b_ec1)                 # [E, D]
    h = jax.nn.elu(_gine_conv(x, src, dst, ea1, W0, b0, n))
    ea2 = _lin(ea1, W_ec2, b_ec2)                       # [E, H]
    h = jax.nn.elu(_gine_conv(h, src, dst, ea2, W1, b1, n))
    h = jax.nn.elu(_gine_conv(h, src, dst, ea2, W2, b2, n))
    pooled = jax.ops.segment_sum(h, batch, num_segments=G)  # global_add_pool
    o = _lin(pooled, Wo1, bo1)
    # dropout with training=False -> identity
    o = _lin(o, Wo2, bo2)
    return o

if __name__ == "__main__":
    import jax
    _d = setup_inputs()
    print(jax.jit(kernel)(*tuple(_d.values())))

</pallas_src>

<mosaic_0001>
#map = affine_map<(d0, d1) -> (0, 0)>
#map1 = affine_map<(d0, d1) -> (0)>
#map2 = affine_map<(d0, d1) -> (0, 0, 0)>
module attributes {stable_mosaic.version = 14 : i64} {
  func.func @agg_kernel(%arg0: i32, %arg1: i32, %arg2: memref<10000x128xf32, #tpu.memory_space<hbm>>, %arg3: memref<320000x128xf32, #tpu.memory_space<hbm>>, %arg4: memref<320000xi32, #tpu.memory_space<hbm>>, %arg5: memref<320000xi32, #tpu.memory_space<hbm>>, %arg6: memref<10000x128xf32, #tpu.memory_space<hbm>>, %arg7: memref<2x10000x128xf32, #tpu.memory_space<hbm>>, %arg8: memref<80xi32, #tpu.memory_space<vmem>>, %arg9: memref<80xi32, #tpu.memory_space<vmem>>, %arg10: memref<80x128xf32, #tpu.memory_space<vmem>>, %arg11: memref<80x128xf32, #tpu.memory_space<vmem>>, %arg12: memref<10000x128xf32, #tpu.memory_space<vmem_shared>>, %arg13: memref<!tpu.dma_semaphore, #tpu.memory_space<semaphore_mem>>, %arg14: memref<!tpu.dma_semaphore, #tpu.memory_space<semaphore_mem>>) attributes {dimension_semantics = [#tpu.dimension_semantics<core_parallel>, #tpu.dimension_semantics<subcore_parallel>], iteration_bounds = array<i64: 2, 16>, scalar_prefetch = 0 : i64, scratch_operands = 7 : i64, tpu.core_type = #tpu.core_type<sc_vector_subcore>, window_params = [{transform_indices = #map}, {transform_indices = #map}, {transform_indices = #map1}, {transform_indices = #map1}, {transform_indices = #map}, {transform_indices = #map2}]} {
    %mul3A = arith.constant 2 : i32
    %mul3A_0 = arith.muli %arg1, %mul3A : i32
    %add3A = arith.addi %mul3A_0, %arg0 : i32
    %mul3A_1 = arith.constant 624 : i32
    %mul3A_2 = arith.muli %arg1, %mul3A_1 : i32
    "tpu.region"() ({
      %run_scoped3A = tpu.sem_alloc : memref<!tpu.dma_semaphore, #tpu.memory_space<semaphore_mem>>
      %dma_start3A = arith.constant 0 : i32
      %dma_start3A_16 = tpu.memref_slice %arg12[%mul3A_2, %dma_start3A] : memref<10000x128xf32, #tpu.memory_space<vmem_shared>> -> memref<624x128xf32, #tpu.memory_space<vmem_shared>>
      %dma_start3A_17 = arith.constant 0 : i32
      %dma_start3A_18 = tpu.memref_slice %arg6[%mul3A_2, %dma_start3A_17] : memref<10000x128xf32, #tpu.memory_space<hbm>> -> memref<624x128xf32, #tpu.memory_space<hbm>>
      tpu.enqueue_dma source(%dma_start3A_18 : memref<624x128xf32, #tpu.memory_space<hbm>>) target(%dma_start3A_16 : memref<624x128xf32, #tpu.memory_space<vmem_shared>>) target_semaphore(%run_scoped3A : memref<!tpu.dma_semaphore, #tpu.memory_space<semaphore_mem>>)
      %dma_wait3A = arith.constant 0 : i32
      %dma_wait3A_19 = tpu.memref_slice %arg12[%mul3A_2, %dma_wait3A] : memref<10000x128xf32, #tpu.memory_space<vmem_shared>> -> memref<624x128xf32, #tpu.memory_space<vmem_shared>>
      %dma_wait3A_20 = arith.constant 0 : i32
      %dma_wait3A_21 = tpu.memref_slice %arg6[%mul3A_2, %dma_wait3A_20] : memref<10000x128xf32, #tpu.memory_space<hbm>> -> memref<624x128xf32, #tpu.memory_space<hbm>>
      tpu.wait_dma2 semaphore(%run_scoped3A : memref<!tpu.dma_semaphore, #tpu.memory_space<semaphore_mem>>) src(%dma_wait3A_21 : memref<624x128xf32, #tpu.memory_space<hbm>>) dst(%dma_wait3A_19 : memref<624x128xf32, #tpu.memory_space<vmem_shared>>)
      tpu.yield
    }) : () -> ()
    %eq3A = arith.constant 15 : i32
    %eq3A_3 = arith.cmpi eq, %arg1, %eq3A : i32
    %convert_element_type3A = arith.extui %eq3A_3 : i1 to i32
    %cond3A = arith.constant 0 : i32
    %cond3A_4 = arith.cmpi ne, %convert_element_type3A, %cond3A : i32
    scf.if %cond3A_4 {
      "tpu.region"() ({
        %run_scoped3A = tpu.sem_alloc : memref<!tpu.dma_semaphore, #tpu.memory_space<semaphore_mem>>
        %dma_start3A = arith.constant 9984 : i32
        %dma_start3A_16 = arith.constant 0 : i32
        %dma_start3A_17 = tpu.memref_slice %arg12[%dma_start3A, %dma_start3A_16] : memref<10000x128xf32, #tpu.memory_space<vmem_shared>> -> memref<16x128xf32, #tpu.memory_space<vmem_shared>>
        %dma_start3A_18 = arith.constant 9984 : i32
        %dma_start3A_19 = arith.constant 0 : i32
        %dma_start3A_20 = tpu.memref_slice %arg6[%dma_start3A_18, %dma_start3A_19] : memref<10000x128xf32, #tpu.memory_space<hbm>> -> memref<16x128xf32, #tpu.memory_space<hbm>>
        tpu.enqueue_dma source(%dma_start3A_20 : memref<16x128xf32, #tpu.memory_space<hbm>>) target(%dma_start3A_17 : memref<16x128xf32, #tpu.memory_space<vmem_shared>>) target_semaphore(%run_scoped3A : memref<!tpu.dma_semaphore, #tpu.memory_space<semaphore_mem>>)
        %dma_wait3A = arith.constant 9984 : i32
        %dma_wait3A_21 = arith.constant 0 : i32
        %dma_wait3A_22 = tpu.memref_slice %arg12[%dma_wait3A, %dma_wait3A_21] : memref<10000x128xf32, #tpu.memory_space<vmem_shared>> -> memref<16x128xf32, #tpu.memory_space<vmem_shared>>
        %dma_wait3A_23 = arith.constant 9984 : i32
        %dma_wait3A_24 = arith.constant 0 : i32
        %dma_wait3A_25 = tpu.memref_slice %arg6[%dma_wait3A_23, %dma_wait3A_24] : memref<10000x128xf32, #tpu.memory_space<hbm>> -> memref<16x128xf32, #tpu.memory_space<hbm>>
        tpu.wait_dma2 semaphore(%run_scoped3A : memref<!tpu.dma_semaphore, #tpu.memory_space<semaphore_mem>>) src(%dma_wait3A_25 : memref<16x128xf32, #tpu.memory_space<hbm>>) dst(%dma_wait3A_22 : memref<16x128xf32, #tpu.memory_space<vmem_shared>>)
        tpu.yield
      }) : () -> ()
    } else {
    }
    %barrier3A = arith.constant 0 : index
    tpu.barrier barrier_id(%barrier3A)
    %scan3A = arith.constant 0 : i32
    %scan3A_5 = arith.constant 0 : i32
    %scan3A_6 = arith.constant 125 : i32
    %scan3A_7 = arith.addi %scan3A_5, %scan3A_6 : i32
    %scan3A_8 = arith.constant 1 : i32
    scf.for %scan3A_16 = %scan3A_5 to %scan3A_7 step %scan3A_8  : i32 {
      %mul3A_17 = arith.constant 10000 : i32
      %mul3A_18 = arith.muli %add3A, %mul3A_17 : i32
      %mul3A_19 = arith.constant 80 : i32
      %mul3A_20 = arith.muli %scan3A_16, %mul3A_19 : i32
      %add3A_21 = arith.addi %mul3A_18, %mul3A_20 : i32
      "tpu.region"() ({
        %run_scoped3A = tpu.sem_alloc : memref<!tpu.dma_semaphore, #tpu.memory_space<semaphore_mem>>
        %dma_start3A_40 = tpu.memref_slice %arg4[%add3A_21] : memref<320000xi32, #tpu.memory_space<hbm>> -> memref<80xi32, #tpu.memory_space<hbm>>
        %dma_start3A_41 = tpu.memref_slice %arg4[%add3A_21] : memref<320000xi32, #tpu.memory_space<hbm>> -> memref<80xi32, #tpu.memory_space<hbm>>
        tpu.enqueue_dma source(%dma_start3A_41 : memref<80xi32, #tpu.memory_space<hbm>>) target(%arg8 : memref<80xi32, #tpu.memory_space<vmem>>) target_semaphore(%run_scoped3A : memref<!tpu.dma_semaphore, #tpu.memory_space<semaphore_mem>>)
        %dma_wait3A_42 = tpu.memref_slice %arg4[%add3A_21] : memref<320000xi32, #tpu.memory_space<hbm>> -> memref<80xi32, #tpu.memory_space<hbm>>
        %dma_wait3A_43 = tpu.memref_slice %arg4[%add3A_21] : memref<320000xi32, #tpu.memory_space<hbm>> -> memref<80xi32, #tpu.memory_space<hbm>>
        tpu.wait_dma2 semaphore(%run_scoped3A : memref<!tpu.dma_semaphore, #tpu.memory_space<semaphore_mem>>) src(%dma_wait3A_43 : memref<80xi32, #tpu.memory_space<hbm>>) dst(%arg8 : memref<80xi32, #tpu.memory_space<vmem>>)
        tpu.yield
      }) : () -> ()
      "tpu.region"() ({
        %run_scoped3A = tpu.sem_alloc : memref<!tpu.dma_semaphore, #tpu.memory_space<semaphore_mem>>
        %dma_start3A_40 = tpu.memref_slice %arg5[%add3A_21] : memref<320000xi32, #tpu.memory_space<hbm>> -> memref<80xi32, #tpu.memory_space<hbm>>
        %dma_start3A_41 = tpu.memref_slice %arg5[%add3A_21] : memref<320000xi32, #tpu.memory_space<hbm>> -> memref<80xi32, #tpu.memory_space<hbm>>
        tpu.enqueue_dma source(%dma_start3A_41 : memref<80xi32, #tpu.memory_space<hbm>>) target(%arg9 : memref<80xi32, #tpu.memory_space<vmem>>) target_semaphore(%run_scoped3A : memref<!tpu.dma_semaphore, #tpu.memory_space<semaphore_mem>>)
        %dma_wait3A_42 = tpu.memref_slice %arg5[%add3A_21] : memref<320000xi32, #tpu.memory_space<hbm>> -> memref<80xi32, #tpu.memory_space<hbm>>
        %dma_wait3A_43 = tpu.memref_slice %arg5[%add3A_21] : memref<320000xi32, #tpu.memory_space<hbm>> -> memref<80xi32, #tpu.memory_space<hbm>>
        tpu.wait_dma2 semaphore(%run_scoped3A : memref<!tpu.dma_semaphore, #tpu.memory_space<semaphore_mem>>) src(%dma_wait3A_43 : memref<80xi32, #tpu.memory_space<hbm>>) dst(%arg9 : memref<80xi32, #tpu.memory_space<vmem>>)
        tpu.yield
      }) : () -> ()
      %dma_start3A = arith.constant 0 : i32
      %dma_start3A_22 = arith.constant 0 : i32
      %dma_start3A_23 = tpu.memref_slice %arg2[%dma_start3A, %dma_start3A_22] : memref<10000x128xf32, #tpu.memory_space<hbm>> -> memref<10000x128xf32, #tpu.memory_space<hbm>>
      tpu.enqueue_indirect_dma source(%dma_start3A_23 : memref<10000x128xf32, #tpu.memory_space<hbm>>) target(%arg10 : memref<80x128xf32, #tpu.memory_space<vmem>>) offsets(%arg8 : memref<80xi32, #tpu.memory_space<vmem>>) semaphore(%arg13 : memref<!tpu.dma_semaphore, #tpu.memory_space<semaphore_mem>>)
      %dma_start3A_24 = arith.constant 0 : i32
      %dma_start3A_25 = tpu.memref_slice %arg3[%add3A_21, %dma_start3A_24] : memref<320000x128xf32, #tpu.memory_space<hbm>> -> memref<80x128xf32, #tpu.memory_space<hbm>>
      %dma_start3A_26 = arith.constant 0 : i32
      %dma_start3A_27 = tpu.memref_slice %arg3[%add3A_21, %dma_start3A_26] : memref<320000x128xf32, #tpu.memory_space<hbm>> -> memref<80x128xf32, #tpu.memory_space<hbm>>
      tpu.enqueue_dma source(%dma_start3A_27 : memref<80x128xf32, #tpu.memory_space<hbm>>) target(%arg11 : memref<80x128xf32, #tpu.memory_space<vmem>>) target_semaphore(%arg14 : memref<!tpu.dma_semaphore, #tpu.memory_space<semaphore_mem>>)
      %dma_wait3A = arith.constant 0 : i32
      %dma_wait3A_28 = arith.constant 0 : i32
      %dma_wait3A_29 = tpu.memref_slice %arg2[%dma_wait3A, %dma_wait3A_28] : memref<10000x128xf32, #tpu.memory_space<hbm>> -> memref<10000x128xf32, #tpu.memory_space<hbm>>
      tpu.wait_indirect_dma semaphore(%arg13 : memref<!tpu.dma_semaphore, #tpu.memory_space<semaphore_mem>>) src(%dma_wait3A_29 : memref<10000x128xf32, #tpu.memory_space<hbm>>) dst(%arg10 : memref<80x128xf32, #tpu.memory_space<vmem>>)
      %dma_wait3A_30 = arith.constant 0 : i32
      %dma_wait3A_31 = tpu.memref_slice %arg3[%add3A_21, %dma_wait3A_30] : memref<320000x128xf32, #tpu.memory_space<hbm>> -> memref<80x128xf32, #tpu.memory_space<hbm>>
      %dma_wait3A_32 = arith.constant 0 : i32
      %dma_wait3A_33 = tpu.memref_slice %arg3[%add3A_21, %dma_wait3A_32] : memref<320000x128xf32, #tpu.memory_space<hbm>> -> memref<80x128xf32, #tpu.memory_space<hbm>>
      tpu.wait_dma2 semaphore(%arg14 : memref<!tpu.dma_semaphore, #tpu.memory_space<semaphore_mem>>) src(%dma_wait3A_33 : memref<80x128xf32, #tpu.memory_space<hbm>>) dst(%arg11 : memref<80x128xf32, #tpu.memory_space<vmem>>)
      %scan3A_34 = arith.constant 0 : i32
      %scan3A_35 = arith.constant 0 : i32
      %scan3A_36 = arith.constant 80 : i32
      %scan3A_37 = arith.addi %scan3A_35, %scan3A_36 : i32
      %scan3A_38 = arith.constant 1 : i32
      scf.for %scan3A_40 = %scan3A_35 to %scan3A_37 step %scan3A_38  : i32 {
        %get3A = arith.index_cast %scan3A_40 : i32 to index
        %get3A_41 = arith.constant 0 : index
        %get3A_42 = tpu.vector_load %arg10[%get3A, %get3A_41] {strides = array<i32>} : memref<80x128xf32, #tpu.memory_space<vmem>>, vector<1x16xf32>,
        %get3A_43 = vector.shape_cast %get3A_42 : vector<1x16xf32> to vector<16xf32>
        %get3A_44 = arith.index_cast %scan3A_40 : i32 to index
        %get3A_45 = arith.constant 0 : index
        %get3A_46 = tpu.vector_load %arg11[%get3A_44, %get3A_45] {strides = array<i32>} : memref<80x128xf32, #tpu.memory_space<vmem>>, vector<1x16xf32>,
        %get3A_47 = vector.shape_cast %get3A_46 : vector<1x16xf32> to vector<16xf32>
        %add3A_48 = arith.addf %get3A_43, %get3A_47 : vector<16xf32>
        %max3A = arith.constant 0.000000e+00 : f32
        %max3A_49 = vector.broadcast %max3A : f32 to vector<16xf32>
        %max3A_50 = arith.maximumf %add3A_48, %max3A_49 : vector<16xf32>
        %swap3A = arith.index_cast %scan3A_40 : i32 to index
        %swap3A_51 = arith.constant 0 : index
        %swap3A_52 = tpu.vector_load %arg10[%swap3A, %swap3A_51] {strides = array<i32>} : memref<80x128xf32, #tpu.memory_space<vmem>>, vector<1x16xf32>,
        %swap3A_53 = vector.shape_cast %swap3A_52 : vector<1x16xf32> to vector<16xf32>
        %swap3A_54 = vector.shape_cast %max3A_50 : vector<16xf32> to vector<1x16xf32>
        tpu.vector_store %arg10[%swap3A, %swap3A_51], %swap3A_54 {strides = array<i32>} : memref<80x128xf32, #tpu.memory_space<vmem>>, vector<1x16xf32>,
        %get3A_55 = arith.index_cast %scan3A_40 : i32 to index
        %get3A_56 = arith.constant 16 : index
        %get3A_57 = tpu.vector_load %arg10[%get3A_55, %get3A_56] {strides = array<i32>} : memref<80x128xf32, #tpu.memory_space<vmem>>, vector<1x16xf32>,
        %get3A_58 = vector.shape_cast %get3A_57 : vector<1x16xf32> to vector<16xf32>
        %get3A_59 = arith.index_cast %scan3A_40 : i32 to index
        %get3A_60 = arith.constant 16 : index
        %get3A_61 = tpu.vector_load %arg11[%get3A_59, %get3A_60] {strides = array<i32>} : memref<80x128xf32, #tpu.memory_space<vmem>>, vector<1x16xf32>,
        %get3A_62 = vector.shape_cast %get3A_61 : vector<1x16xf32> to vector<16xf32>
        %add3A_63 = arith.addf %get3A_58, %get3A_62 : vector<16xf32>
        %max3A_64 = arith.constant 0.000000e+00 : f32
        %max3A_65 = vector.broadcast %max3A_64 : f32 to vector<16xf32>
        %max3A_66 = arith.maximumf %add3A_63, %max3A_65 : vector<16xf32>
        %swap3A_67 = arith.index_cast %scan3A_40 : i32 to index
        %swap3A_68 = arith.constant 16 : index
        %swap3A_69 = tpu.vector_load %arg10[%swap3A_67, %swap3A_68] {strides = array<i32>} : memref<80x128xf32, #tpu.memory_space<vmem>>, vector<1x16xf32>,
        %swap3A_70 = vector.shape_cast %swap3A_69 : vector<1x16xf32> to vector<16xf32>
        %swap3A_71 = vector.shape_cast %max3A_66 : vector<16xf32> to vector<1x16xf32>
        tpu.vector_store %arg10[%swap3A_67, %swap3A_68], %swap3A_71 {strides = array<i32>} : memref<80x128xf32, #tpu.memory_space<vmem>>, vector<1x16xf32>,
        %get3A_72 = arith.index_cast %scan3A_40 : i32 to index
        %get3A_73 = arith.constant 32 : index
        %get3A_74 = tpu.vector_load %arg10[%get3A_72, %get3A_73] {strides = array<i32>} : memref<80x128xf32, #tpu.memory_space<vmem>>, vector<1x16xf32>,
        %get3A_75 = vector.shape_cast %get3A_74 : vector<1x16xf32> to vector<16xf32>
        %get3A_76 = arith.index_cast %scan3A_40 : i32 to index
        %get3A_77 = arith.constant 32 : index
        %get3A_78 = tpu.vector_load %arg11[%get3A_76, %get3A_77] {strides = array<i32>} : memref<80x128xf32, #tpu.memory_space<vmem>>, vector<1x16xf32>,
        %get3A_79 = vector.shape_cast %get3A_78 : vector<1x16xf32> to vector<16xf32>
        %add3A_80 = arith.addf %get3A_75, %get3A_79 : vector<16xf32>
        %max3A_81 = arith.constant 0.000000e+00 : f32
        %max3A_82 = vector.broadcast %max3A_81 : f32 to vector<16xf32>
        %max3A_83 = arith.maximumf %add3A_80, %max3A_82 : vector<16xf32>
        %swap3A_84 = arith.index_cast %scan3A_40 : i32 to index
        %swap3A_85 = arith.constant 32 : index
        %swap3A_86 = tpu.vector_load %arg10[%swap3A_84, %swap3A_85] {strides = array<i32>} : memref<80x128xf32, #tpu.memory_space<vmem>>, vector<1x16xf32>,
        %swap3A_87 = vector.shape_cast %swap3A_86 : vector<1x16xf32> to vector<16xf32>
        %swap3A_88 = vector.shape_cast %max3A_83 : vector<16xf32> to vector<1x16xf32>
        tpu.vector_store %arg10[%swap3A_84, %swap3A_85], %swap3A_88 {strides = array<i32>} : memref<80x128xf32, #tpu.memory_space<vmem>>, vector<1x16xf32>,
        %get3A_89 = arith.index_cast %scan3A_40 : i32 to index
        %get3A_90 = arith.constant 48 : index
        %get3A_91 = tpu.vector_load %arg10[%get3A_89, %get3A_90] {strides = array<i32>} : memref<80x128xf32, #tpu.memory_space<vmem>>, vector<1x16xf32>,
        %get3A_92 = vector.shape_cast %get3A_91 : vector<1x16xf32> to vector<16xf32>
        %get3A_93 = arith.index_cast %scan3A_40 : i32 to index
        %get3A_94 = arith.constant 48 : index
        %get3A_95 = tpu.vector_load %arg11[%get3A_93, %get3A_94] {strides = array<i32>} : memref<80x128xf32, #tpu.memory_space<vmem>>, vector<1x16xf32>,
        %get3A_96 = vector.shape_cast %get3A_95 : vector<1x16xf32> to vector<16xf32>
        %add3A_97 = arith.addf %get3A_92, %get3A_96 : vector<16xf32>
        %max3A_98 = arith.constant 0.000000e+00 : f32
        %max3A_99 = vector.broadcast %max3A_98 : f32 to vector<16xf32>
        %max3A_100 = arith.maximumf %add3A_97, %max3A_99 : vector<16xf32>
        %swap3A_101 = arith.index_cast %scan3A_40 : i32 to index
        %swap3A_102 = arith.constant 48 : index
        %swap3A_103 = tpu.vector_load %arg10[%swap3A_101, %swap3A_102] {strides = array<i32>} : memref<80x128xf32, #tpu.memory_space<vmem>>, vector<1x16xf32>,
        %swap3A_104 = vector.shape_cast %swap3A_103 : vector<1x16xf32> to vector<16xf32>
        %swap3A_105 = vector.shape_cast %max3A_100 : vector<16xf32> to vector<1x16xf32>
        tpu.vector_store %arg10[%swap3A_101, %swap3A_102], %swap3A_105 {strides = array<i32>} : memref<80x128xf32, #tpu.memory_space<vmem>>, vector<1x16xf32>,
        %get3A_106 = arith.index_cast %scan3A_40 : i32 to index
        %get3A_107 = arith.constant 64 : index
        %get3A_108 = tpu.vector_load %arg10[%get3A_106, %get3A_107] {strides = array<i32>} : memref<80x128xf32, #tpu.memory_space<vmem>>, vector<1x16xf32>,
        %get3A_109 = vector.shape_cast %get3A_108 : vector<1x16xf32> to vector<16xf32>
        %get3A_110 = arith.index_cast %scan3A_40 : i32 to index
        %get3A_111 = arith.constant 64 : index
        %get3A_112 = tpu.vector_load %arg11[%get3A_110, %get3A_111] {strides = array<i32>} : memref<80x128xf32, #tpu.memory_space<vmem>>, vector<1x16xf32>,
        %get3A_113 = vector.shape_cast %get3A_112 : vector<1x16xf32> to vector<16xf32>
        %add3A_114 = arith.addf %get3A_109, %get3A_113 : vector<16xf32>
        %max3A_115 = arith.constant 0.000000e+00 : f32
        %max3A_116 = vector.broadcast %max3A_115 : f32 to vector<16xf32>
        %max3A_117 = arith.maximumf %add3A_114, %max3A_116 : vector<16xf32>
        %swap3A_118 = arith.index_cast %scan3A_40 : i32 to index
        %swap3A_119 = arith.constant 64 : index
        %swap3A_120 = tpu.vector_load %arg10[%swap3A_118, %swap3A_119] {strides = array<i32>} : memref<80x128xf32, #tpu.memory_space<vmem>>, vector<1x16xf32>,
        %swap3A_121 = vector.shape_cast %swap3A_120 : vector<1x16xf32> to vector<16xf32>
        %swap3A_122 = vector.shape_cast %max3A_117 : vector<16xf32> to vector<1x16xf32>
        tpu.vector_store %arg10[%swap3A_118, %swap3A_119], %swap3A_122 {strides = array<i32>} : memref<80x128xf32, #tpu.memory_space<vmem>>, vector<1x16xf32>,
        %get3A_123 = arith.index_cast %scan3A_40 : i32 to index
        %get3A_124 = arith.constant 80 : index
        %get3A_125 = tpu.vector_load %arg10[%get3A_123, %get3A_124] {strides = array<i32>} : memref<80x128xf32, #tpu.memory_space<vmem>>, vector<1x16xf32>,
        %get3A_126 = vector.shape_cast %get3A_125 : vector<1x16xf32> to vector<16xf32>
        %get3A_127 = arith.index_cast %scan3A_40 : i32 to index
        %get3A_128 = arith.constant 80 : index
        %get3A_129 = tpu.vector_load %arg11[%get3A_127, %get3A_128] {strides = array<i32>} : memref<80x128xf32, #tpu.memory_space<vmem>>, vector<1x16xf32>,
        %get3A_130 = vector.shape_cast %get3A_129 : vector<1x16xf32> to vector<16xf32>
        %add3A_131 = arith.addf %get3A_126, %get3A_130 : vector<16xf32>
        %max3A_132 = arith.constant 0.000000e+00 : f32
        %max3A_133 = vector.broadcast %max3A_132 : f32 to vector<16xf32>
        %max3A_134 = arith.maximumf %add3A_131, %max3A_133 : vector<16xf32>
        %swap3A_135 = arith.index_cast %scan3A_40 : i32 to index
        %swap3A_136 = arith.constant 80 : index
        %swap3A_137 = tpu.vector_load %arg10[%swap3A_135, %swap3A_136] {strides = array<i32>} : memref<80x128xf32, #tpu.memory_space<vmem>>, vector<1x16xf32>,
        %swap3A_138 = vector.shape_cast %swap3A_137 : vector<1x16xf32> to vector<16xf32>
        %swap3A_139 = vector.shape_cast %max3A_134 : vector<16xf32> to vector<1x16xf32>
        tpu.vector_store %arg10[%swap3A_135, %swap3A_136], %swap3A_139 {strides = array<i32>} : memref<80x128xf32, #tpu.memory_space<vmem>>, vector<1x16xf32>,
        %get3A_140 = arith.index_cast %scan3A_40 : i32 to index
        %get3A_141 = arith.constant 96 : index
        %get3A_142 = tpu.vector_load %arg10[%get3A_140, %get3A_141] {strides = array<i32>} : memref<80x128xf32, #tpu.memory_space<vmem>>, vector<1x16xf32>,
        %get3A_143 = vector.shape_cast %get3A_142 : vector<1x16xf32> to vector<16xf32>
        %get3A_144 = arith.index_cast %scan3A_40 : i32 to index
        %get3A_145 = arith.constant 96 : index
        %get3A_146 = tpu.vector_load %arg11[%get3A_144, %get3A_145] {strides = array<i32>} : memref<80x128xf32, #tpu.memory_space<vmem>>, vector<1x16xf32>,
        %get3A_147 = vector.shape_cast %get3A_146 : vector<1x16xf32> to vector<16xf32>
        %add3A_148 = arith.addf %get3A_143, %get3A_147 : vector<16xf32>
        %max3A_149 = arith.constant 0.000000e+00 : f32
        %max3A_150 = vector.broadcast %max3A_149 : f32 to vector<16xf32>
        %max3A_151 = arith.maximumf %add3A_148, %max3A_150 : vector<16xf32>
        %swap3A_152 = arith.index_cast %scan3A_40 : i32 to index
        %swap3A_153 = arith.constant 96 : index
        %swap3A_154 = tpu.vector_load %arg10[%swap3A_152, %swap3A_153] {strides = array<i32>} : memref<80x128xf32, #tpu.memory_space<vmem>>, vector<1x16xf32>,
        %swap3A_155 = vector.shape_cast %swap3A_154 : vector<1x16xf32> to vector<16xf32>
        %swap3A_156 = vector.shape_cast %max3A_151 : vector<16xf32> to vector<1x16xf32>
        tpu.vector_store %arg10[%swap3A_152, %swap3A_153], %swap3A_156 {strides = array<i32>} : memref<80x128xf32, #tpu.memory_space<vmem>>, vector<1x16xf32>,
        %get3A_157 = arith.index_cast %scan3A_40 : i32 to index
        %get3A_158 = arith.constant 112 : index
        %get3A_159 = tpu.vector_load %arg10[%get3A_157, %get3A_158] {strides = array<i32>} : memref<80x128xf32, #tpu.memory_space<vmem>>, vector<1x16xf32>,
        %get3A_160 = vector.shape_cast %get3A_159 : vector<1x16xf32> to vector<16xf32>
        %get3A_161 = arith.index_cast %scan3A_40 : i32 to index
        %get3A_162 = arith.constant 112 : index
        %get3A_163 = tpu.vector_load %arg11[%get3A_161, %get3A_162] {strides = array<i32>} : memref<80x128xf32, #tpu.memory_space<vmem>>, vector<1x16xf32>,
        %get3A_164 = vector.shape_cast %get3A_163 : vector<1x16xf32> to vector<16xf32>
        %add3A_165 = arith.addf %get3A_160, %get3A_164 : vector<16xf32>
        %max3A_166 = arith.constant 0.000000e+00 : f32
        %max3A_167 = vector.broadcast %max3A_166 : f32 to vector<16xf32>
        %max3A_168 = arith.maximumf %add3A_165, %max3A_167 : vector<16xf32>
        %swap3A_169 = arith.index_cast %scan3A_40 : i32 to index
        %swap3A_170 = arith.constant 112 : index
        %swap3A_171 = tpu.vector_load %arg10[%swap3A_169, %swap3A_170] {strides = array<i32>} : memref<80x128xf32, #tpu.memory_space<vmem>>, vector<1x16xf32>,
        %swap3A_172 = vector.shape_cast %swap3A_171 : vector<1x16xf32> to vector<16xf32>
        %swap3A_173 = vector.shape_cast %max3A_168 : vector<16xf32> to vector<1x16xf32>
        tpu.vector_store %arg10[%swap3A_169, %swap3A_170], %swap3A_173 {strides = array<i32>} : memref<80x128xf32, #tpu.memory_space<vmem>>, vector<1x16xf32>,
      }
      %scan3A_39 = arith.constant 80 : i32
      "tpu.region"() ({
        %run_scoped3A = tpu.sem_alloc : memref<!tpu.dma_semaphore, #tpu.memory_space<semaphore_mem>>
        %dma_start3A_40 = arith.constant 0 : i32
        %dma_start3A_41 = arith.constant 0 : i32
        %dma_start3A_42 = tpu.memref_slice %arg12[%dma_start3A_40, %dma_start3A_41] : memref<10000x128xf32, #tpu.memory_space<vmem_shared>> -> memref<10000x128xf32, #tpu.memory_space<vmem_shared>>
        tpu.enqueue_indirect_dma source(%arg10 : memref<80x128xf32, #tpu.memory_space<vmem>>) target(%dma_start3A_42 : memref<10000x128xf32, #tpu.memory_space<vmem_shared>>) offsets(%arg9 : memref<80xi32, #tpu.memory_space<vmem>>) semaphore(%run_scoped3A : memref<!tpu.dma_semaphore, #tpu.memory_space<semaphore_mem>>) {add = true}
        %dma_wait3A_43 = arith.constant 0 : i32
        %dma_wait3A_44 = arith.constant 0 : i32
        %dma_wait3A_45 = tpu.memref_slice %arg12[%dma_wait3A_43, %dma_wait3A_44] : memref<10000x128xf32, #tpu.memory_space<vmem_shared>> -> memref<10000x128xf32, #tpu.memory_space<vmem_shared>>
        tpu.wait_indirect_dma semaphore(%run_scoped3A : memref<!tpu.dma_semaphore, #tpu.memory_space<semaphore_mem>>) src(%arg10 : memref<80x128xf32, #tpu.memory_space<vmem>>) dst(%dma_wait3A_45 : memref<10000x128xf32, #tpu.memory_space<vmem_shared>>)
        tpu.yield
      }) : () -> ()
    }
    %scan3A_9 = arith.constant 125 : i32
    %barrier3A_10 = arith.constant 0 : index
    tpu.barrier barrier_id(%barrier3A_10)
    "tpu.region"() ({
      %run_scoped3A = tpu.sem_alloc : memref<!tpu.dma_semaphore, #tpu.memory_space<semaphore_mem>>
      %dma_start3A = arith.constant 0 : i32
      %dma_start3A_16 = tpu.memref_slice %arg7[%arg0, %mul3A_2, %dma_start3A] : memref<2x10000x128xf32, #tpu.memory_space<hbm>> -> memref<1x624x128xf32, #tpu.memory_space<hbm>>
      %dma_start3A_17 = tpu.memref_squeeze %dma_start3A_16 : memref<1x624x128xf32, #tpu.memory_space<hbm>> -> memref<624x128xf32, #tpu.memory_space<hbm>>
      %dma_start3A_18 = arith.constant 0 : i32
      %dma_start3A_19 = tpu.memref_slice %arg12[%mul3A_2, %dma_start3A_18] : memref<10000x128xf32, #tpu.memory_space<vmem_shared>> -> memref<624x128xf32, #tpu.memory_space<vmem_shared>>
      tpu.enqueue_dma source(%dma_start3A_19 : memref<624x128xf32, #tpu.memory_space<vmem_shared>>) target(%dma_start3A_17 : memref<624x128xf32, #tpu.memory_space<hbm>>) target_semaphore(%run_scoped3A : memref<!tpu.dma_semaphore, #tpu.memory_space<semaphore_mem>>)
      %dma_wait3A = arith.constant 0 : i32
      %dma_wait3A_20 = tpu.memref_slice %arg7[%arg0, %mul3A_2, %dma_wait3A] : memref<2x10000x128xf32, #tpu.memory_space<hbm>> -> memref<1x624x128xf32, #tpu.memory_space<hbm>>
      %dma_wait3A_21 = tpu.memref_squeeze %dma_wait3A_20 : memref<1x624x128xf32, #tpu.memory_space<hbm>> -> memref<624x128xf32, #tpu.memory_space<hbm>>
      %dma_wait3A_22 = arith.constant 0 : i32
      %dma_wait3A_23 = tpu.memref_slice %arg12[%mul3A_2, %dma_wait3A_22] : memref<10000x128xf32, #tpu.memory_space<vmem_shared>> -> memref<624x128xf32, #tpu.memory_space<vmem_shared>>
      tpu.wait_dma2 semaphore(%run_scoped3A : memref<!tpu.dma_semaphore, #tpu.memory_space<semaphore_mem>>) src(%dma_wait3A_23 : memref<624x128xf32, #tpu.memory_space<vmem_shared>>) dst(%dma_wait3A_21 : memref<624x128xf32, #tpu.memory_space<hbm>>)
      tpu.yield
    }) : () -> ()
    %eq3A_11 = arith.constant 15 : i32
    %eq3A_12 = arith.cmpi eq, %arg1, %eq3A_11 : i32
    %convert_element_type3A_13 = arith.extui %eq3A_12 : i1 to i32
    %cond3A_14 = arith.constant 0 : i32
    %cond3A_15 = arith.cmpi ne, %convert_element_type3A_13, %cond3A_14 : i32
    scf.if %cond3A_15 {
      "tpu.region"() ({
        %run_scoped3A = tpu.sem_alloc : memref<!tpu.dma_semaphore, #tpu.memory_space<semaphore_mem>>
        %dma_start3A = arith.constant 9984 : i32
        %dma_start3A_16 = arith.constant 0 : i32
        %dma_start3A_17 = tpu.memref_slice %arg7[%arg0, %dma_start3A, %dma_start3A_16] : memref<2x10000x128xf32, #tpu.memory_space<hbm>> -> memref<1x16x128xf32, #tpu.memory_space<hbm>>
        %dma_start3A_18 = tpu.memref_squeeze %dma_start3A_17 : memref<1x16x128xf32, #tpu.memory_space<hbm>> -> memref<16x128xf32, #tpu.memory_space<hbm>>
        %dma_start3A_19 = arith.constant 9984 : i32
        %dma_start3A_20 = arith.constant 0 : i32
        %dma_start3A_21 = tpu.memref_slice %arg12[%dma_start3A_19, %dma_start3A_20] : memref<10000x128xf32, #tpu.memory_space<vmem_shared>> -> memref<16x128xf32, #tpu.memory_space<vmem_shared>>
        tpu.enqueue_dma source(%dma_start3A_21 : memref<16x128xf32, #tpu.memory_space<vmem_shared>>) target(%dma_start3A_18 : memref<16x128xf32, #tpu.memory_space<hbm>>) target_semaphore(%run_scoped3A : memref<!tpu.dma_semaphore, #tpu.memory_space<semaphore_mem>>)
        %dma_wait3A = arith.constant 9984 : i32
        %dma_wait3A_22 = arith.constant 0 : i32
        %dma_wait3A_23 = tpu.memref_slice %arg7[%arg0, %dma_wait3A, %dma_wait3A_22] : memref<2x10000x128xf32, #tpu.memory_space<hbm>> -> memref<1x16x128xf32, #tpu.memory_space<hbm>>
        %dma_wait3A_24 = tpu.memref_squeeze %dma_wait3A_23 : memref<1x16x128xf32, #tpu.memory_space<hbm>> -> memref<16x128xf32, #tpu.memory_space<hbm>>
        %dma_wait3A_25 = arith.constant 9984 : i32
        %dma_wait3A_26 = arith.constant 0 : i32
        %dma_wait3A_27 = tpu.memref_slice %arg12[%dma_wait3A_25, %dma_wait3A_26] : memref<10000x128xf32, #tpu.memory_space<vmem_shared>> -> memref<16x128xf32, #tpu.memory_space<vmem_shared>>
        tpu.wait_dma2 semaphore(%run_scoped3A : memref<!tpu.dma_semaphore, #tpu.memory_space<semaphore_mem>>) src(%dma_wait3A_27 : memref<16x128xf32, #tpu.memory_space<vmem_shared>>) dst(%dma_wait3A_24 : memref<16x128xf32, #tpu.memory_space<hbm>>)
        tpu.yield
      }) : () -> ()
    } else {
    }
    return
  }
}

#map = affine_map<(d0, d1) -> (0, 0)>
#map1 = affine_map<(d0, d1) -> (0)>
#map2 = affine_map<(d0, d1) -> (0, 0, 0)>
module attributes {stable_mosaic.version = 14 : i64} {
  func.func @agg_kernel(%arg0: i32, %arg1: i32, %arg2: memref<10000x128xf32, #tpu.memory_space<hbm>>, %arg3: memref<320000x128xf32, #tpu.memory_space<hbm>>, %arg4: memref<320000xi32, #tpu.memory_space<hbm>>, %arg5: memref<320000xi32, #tpu.memory_space<hbm>>, %arg6: memref<10000x128xf32, #tpu.memory_space<hbm>>, %arg7: memref<2x10000x128xf32, #tpu.memory_space<hbm>>, %arg8: memref<80xi32, #tpu.memory_space<vmem>>, %arg9: memref<80xi32, #tpu.memory_space<vmem>>, %arg10: memref<80x128xf32, #tpu.memory_space<vmem>>, %arg11: memref<80x128xf32, #tpu.memory_space<vmem>>, %arg12: memref<10000x128xf32, #tpu.memory_space<vmem_shared>>, %arg13: memref<!tpu.dma_semaphore, #tpu.memory_space<semaphore_mem>>, %arg14: memref<!tpu.dma_semaphore, #tpu.memory_space<semaphore_mem>>) attributes {dimension_semantics = [#tpu.dimension_semantics<core_parallel>, #tpu.dimension_semantics<subcore_parallel>], iteration_bounds = array<i64: 2, 16>, scalar_prefetch = 0 : i64, scratch_operands = 7 : i64, tpu.core_type = #tpu.core_type<sc_vector_subcore>, window_params = [{transform_indices = #map}, {transform_indices = #map}, {transform_indices = #map1}, {transform_indices = #map1}, {transform_indices = #map}, {transform_indices = #map2}]} {
    %mul3A = arith.constant 2 : i32
    %mul3A_0 = arith.muli %arg1, %mul3A : i32
    %add3A = arith.addi %mul3A_0, %arg0 : i32
    %mul3A_1 = arith.constant 624 : i32
    %mul3A_2 = arith.muli %arg1, %mul3A_1 : i32
    "tpu.region"() ({
      %run_scoped3A = tpu.sem_alloc : memref<!tpu.dma_semaphore, #tpu.memory_space<semaphore_mem>>
      %dma_start3A = arith.constant 0 : i32
      %dma_start3A_16 = tpu.memref_slice %arg12[%mul3A_2, %dma_start3A] : memref<10000x128xf32, #tpu.memory_space<vmem_shared>> -> memref<624x128xf32, #tpu.memory_space<vmem_shared>>
      %dma_start3A_17 = arith.constant 0 : i32
      %dma_start3A_18 = tpu.memref_slice %arg6[%mul3A_2, %dma_start3A_17] : memref<10000x128xf32, #tpu.memory_space<hbm>> -> memref<624x128xf32, #tpu.memory_space<hbm>>
      tpu.enqueue_dma source(%dma_start3A_18 : memref<624x128xf32, #tpu.memory_space<hbm>>) target(%dma_start3A_16 : memref<624x128xf32, #tpu.memory_space<vmem_shared>>) target_semaphore(%run_scoped3A : memref<!tpu.dma_semaphore, #tpu.memory_space<semaphore_mem>>)
      %dma_wait3A = arith.constant 0 : i32
      %dma_wait3A_19 = tpu.memref_slice %arg12[%mul3A_2, %dma_wait3A] : memref<10000x128xf32, #tpu.memory_space<vmem_shared>> -> memref<624x128xf32, #tpu.memory_space<vmem_shared>>
      %dma_wait3A_20 = arith.constant 0 : i32
      %dma_wait3A_21 = tpu.memref_slice %arg6[%mul3A_2, %dma_wait3A_20] : memref<10000x128xf32, #tpu.memory_space<hbm>> -> memref<624x128xf32, #tpu.memory_space<hbm>>
      tpu.wait_dma2 semaphore(%run_scoped3A : memref<!tpu.dma_semaphore, #tpu.memory_space<semaphore_mem>>) src(%dma_wait3A_21 : memref<624x128xf32, #tpu.memory_space<hbm>>) dst(%dma_wait3A_19 : memref<624x128xf32, #tpu.memory_space<vmem_shared>>)
      tpu.yield
    }) : () -> ()
    %eq3A = arith.constant 15 : i32
    %eq3A_3 = arith.cmpi eq, %arg1, %eq3A : i32
    %convert_element_type3A = arith.extui %eq3A_3 : i1 to i32
    %cond3A = arith.constant 0 : i32
    %cond3A_4 = arith.cmpi ne, %convert_element_type3A, %cond3A : i32
    scf.if %cond3A_4 {
      "tpu.region"() ({
        %run_scoped3A = tpu.sem_alloc : memref<!tpu.dma_semaphore, #tpu.memory_space<semaphore_mem>>
        %dma_start3A = arith.constant 9984 : i32
        %dma_start3A_16 = arith.constant 0 : i32
        %dma_start3A_17 = tpu.memref_slice %arg12[%dma_start3A, %dma_start3A_16] : memref<10000x128xf32, #tpu.memory_space<vmem_shared>> -> memref<16x128xf32, #tpu.memory_space<vmem_shared>>
        %dma_start3A_18 = arith.constant 9984 : i32
        %dma_start3A_19 = arith.constant 0 : i32
        %dma_start3A_20 = tpu.memref_slice %arg6[%dma_start3A_18, %dma_start3A_19] : memref<10000x128xf32, #tpu.memory_space<hbm>> -> memref<16x128xf32, #tpu.memory_space<hbm>>
        tpu.enqueue_dma source(%dma_start3A_20 : memref<16x128xf32, #tpu.memory_space<hbm>>) target(%dma_start3A_17 : memref<16x128xf32, #tpu.memory_space<vmem_shared>>) target_semaphore(%run_scoped3A : memref<!tpu.dma_semaphore, #tpu.memory_space<semaphore_mem>>)
        %dma_wait3A = arith.constant 9984 : i32
        %dma_wait3A_21 = arith.constant 0 : i32
        %dma_wait3A_22 = tpu.memref_slice %arg12[%dma_wait3A, %dma_wait3A_21] : memref<10000x128xf32, #tpu.memory_space<vmem_shared>> -> memref<16x128xf32, #tpu.memory_space<vmem_shared>>
        %dma_wait3A_23 = arith.constant 9984 : i32
        %dma_wait3A_24 = arith.constant 0 : i32
        %dma_wait3A_25 = tpu.memref_slice %arg6[%dma_wait3A_23, %dma_wait3A_24] : memref<10000x128xf32, #tpu.memory_space<hbm>> -> memref<16x128xf32, #tpu.memory_space<hbm>>
        tpu.wait_dma2 semaphore(%run_scoped3A : memref<!tpu.dma_semaphore, #tpu.memory_space<semaphore_mem>>) src(%dma_wait3A_25 : memref<16x128xf32, #tpu.memory_space<hbm>>) dst(%dma_wait3A_22 : memref<16x128xf32, #tpu.memory_space<vmem_shared>>)
        tpu.yield
      }) : () -> ()
    } else {
    }
    %barrier3A = arith.constant 0 : index
    tpu.barrier barrier_id(%barrier3A)
    %scan3A = arith.constant 0 : i32
    %scan3A_5 = arith.constant 0 : i32
    %scan3A_6 = arith.constant 125 : i32
    %scan3A_7 = arith.addi %scan3A_5, %scan3A_6 : i32
    %scan3A_8 = arith.constant 1 : i32
    scf.for %scan3A_16 = %scan3A_5 to %scan3A_7 step %scan3A_8  : i32 {
      %mul3A_17 = arith.constant 10000 : i32
      %mul3A_18 = arith.muli %add3A, %mul3A_17 : i32
      %mul3A_19 = arith.constant 80 : i32
      %mul3A_20 = arith.muli %scan3A_16, %mul3A_19 : i32
      %add3A_21 = arith.addi %mul3A_18, %mul3A_20 : i32
      "tpu.region"() ({
        %run_scoped3A = tpu.sem_alloc : memref<!tpu.dma_semaphore, #tpu.memory_space<semaphore_mem>>
        %dma_start3A_40 = tpu.memref_slice %arg4[%add3A_21] : memref<320000xi32, #tpu.memory_space<hbm>> -> memref<80xi32, #tpu.memory_space<hbm>>
        %dma_start3A_41 = tpu.memref_slice %arg4[%add3A_21] : memref<320000xi32, #tpu.memory_space<hbm>> -> memref<80xi32, #tpu.memory_space<hbm>>
        tpu.enqueue_dma source(%dma_start3A_41 : memref<80xi32, #tpu.memory_space<hbm>>) target(%arg8 : memref<80xi32, #tpu.memory_space<vmem>>) target_semaphore(%run_scoped3A : memref<!tpu.dma_semaphore, #tpu.memory_space<semaphore_mem>>)
        %dma_wait3A_42 = tpu.memref_slice %arg4[%add3A_21] : memref<320000xi32, #tpu.memory_space<hbm>> -> memref<80xi32, #tpu.memory_space<hbm>>
        %dma_wait3A_43 = tpu.memref_slice %arg4[%add3A_21] : memref<320000xi32, #tpu.memory_space<hbm>> -> memref<80xi32, #tpu.memory_space<hbm>>
        tpu.wait_dma2 semaphore(%run_scoped3A : memref<!tpu.dma_semaphore, #tpu.memory_space<semaphore_mem>>) src(%dma_wait3A_43 : memref<80xi32, #tpu.memory_space<hbm>>) dst(%arg8 : memref<80xi32, #tpu.memory_space<vmem>>)
        tpu.yield
      }) : () -> ()
      "tpu.region"() ({
        %run_scoped3A = tpu.sem_alloc : memref<!tpu.dma_semaphore, #tpu.memory_space<semaphore_mem>>
        %dma_start3A_40 = tpu.memref_slice %arg5[%add3A_21] : memref<320000xi32, #tpu.memory_space<hbm>> -> memref<80xi32, #tpu.memory_space<hbm>>
        %dma_start3A_41 = tpu.memref_slice %arg5[%add3A_21] : memref<320000xi32, #tpu.memory_space<hbm>> -> memref<80xi32, #tpu.memory_space<hbm>>
        tpu.enqueue_dma source(%dma_start3A_41 : memref<80xi32, #tpu.memory_space<hbm>>) target(%arg9 : memref<80xi32, #tpu.memory_space<vmem>>) target_semaphore(%run_scoped3A : memref<!tpu.dma_semaphore, #tpu.memory_space<semaphore_mem>>)
        %dma_wait3A_42 = tpu.memref_slice %arg5[%add3A_21] : memref<320000xi32, #tpu.memory_space<hbm>> -> memref<80xi32, #tpu.memory_space<hbm>>
        %dma_wait3A_43 = tpu.memref_slice %arg5[%add3A_21] : memref<320000xi32, #tpu.memory_space<hbm>> -> memref<80xi32, #tpu.memory_space<hbm>>
        tpu.wait_dma2 semaphore(%run_scoped3A : memref<!tpu.dma_semaphore, #tpu.memory_space<semaphore_mem>>) src(%dma_wait3A_43 : memref<80xi32, #tpu.memory_space<hbm>>) dst(%arg9 : memref<80xi32, #tpu.memory_space<vmem>>)
        tpu.yield
      }) : () -> ()
      %dma_start3A = arith.constant 0 : i32
      %dma_start3A_22 = arith.constant 0 : i32
      %dma_start3A_23 = tpu.memref_slice %arg2[%dma_start3A, %dma_start3A_22] : memref<10000x128xf32, #tpu.memory_space<hbm>> -> memref<10000x128xf32, #tpu.memory_space<hbm>>
      tpu.enqueue_indirect_dma source(%dma_start3A_23 : memref<10000x128xf32, #tpu.memory_space<hbm>>) target(%arg10 : memref<80x128xf32, #tpu.memory_space<vmem>>) offsets(%arg8 : memref<80xi32, #tpu.memory_space<vmem>>) semaphore(%arg13 : memref<!tpu.dma_semaphore, #tpu.memory_space<semaphore_mem>>)
      %dma_start3A_24 = arith.constant 0 : i32
      %dma_start3A_25 = tpu.memref_slice %arg3[%add3A_21, %dma_start3A_24] : memref<320000x128xf32, #tpu.memory_space<hbm>> -> memref<80x128xf32, #tpu.memory_space<hbm>>
      %dma_start3A_26 = arith.constant 0 : i32
      %dma_start3A_27 = tpu.memref_slice %arg3[%add3A_21, %dma_start3A_26] : memref<320000x128xf32, #tpu.memory_space<hbm>> -> memref<80x128xf32, #tpu.memory_space<hbm>>
      tpu.enqueue_dma source(%dma_start3A_27 : memref<80x128xf32, #tpu.memory_space<hbm>>) target(%arg11 : memref<80x128xf32, #tpu.memory_space<vmem>>) target_semaphore(%arg14 : memref<!tpu.dma_semaphore, #tpu.memory_space<semaphore_mem>>)
      %dma_wait3A = arith.constant 0 : i32
      %dma_wait3A_28 = arith.constant 0 : i32
      %dma_wait3A_29 = tpu.memref_slice %arg2[%dma_wait3A, %dma_wait3A_28] : memref<10000x128xf32, #tpu.memory_space<hbm>> -> memref<10000x128xf32, #tpu.memory_space<hbm>>
      tpu.wait_indirect_dma semaphore(%arg13 : memref<!tpu.dma_semaphore, #tpu.memory_space<semaphore_mem>>) src(%dma_wait3A_29 : memref<10000x128xf32, #tpu.memory_space<hbm>>) dst(%arg10 : memref<80x128xf32, #tpu.memory_space<vmem>>)
      %dma_wait3A_30 = arith.constant 0 : i32
      %dma_wait3A_31 = tpu.memref_slice %arg3[%add3A_21, %dma_wait3A_30] : memref<320000x128xf32, #tpu.memory_space<hbm>> -> memref<80x128xf32, #tpu.memory_space<hbm>>
      %dma_wait3A_32 = arith.constant 0 : i32
      %dma_wait3A_33 = tpu.memref_slice %arg3[%add3A_21, %dma_wait3A_32] : memref<320000x128xf32, #tpu.memory_space<hbm>> -> memref<80x128xf32, #tpu.memory_space<hbm>>
      tpu.wait_dma2 semaphore(%arg14 : memref<!tpu.dma_semaphore, #tpu.memory_space<semaphore_mem>>) src(%dma_wait3A_33 : memref<80x128xf32, #tpu.memory_space<hbm>>) dst(%arg11 : memref<80x128xf32, #tpu.memory_space<vmem>>)
      %scan3A_34 = arith.constant 0 : i32
      %scan3A_35 = arith.constant 0 : i32
      %scan3A_36 = arith.constant 80 : i32
      %scan3A_37 = arith.addi %scan3A_35, %scan3A_36 : i32
      %scan3A_38 = arith.constant 1 : i32
      scf.for %scan3A_40 = %scan3A_35 to %scan3A_37 step %scan3A_38  : i32 {
        %get3A = arith.index_cast %scan3A_40 : i32 to index
        %get3A_41 = arith.constant 0 : index
        %get3A_42 = tpu.vector_load %arg10[%get3A, %get3A_41] {strides = array<i32>} : memref<80x128xf32, #tpu.memory_space<vmem>>, vector<1x16xf32>,
        %get3A_43 = vector.shape_cast %get3A_42 : vector<1x16xf32> to vector<16xf32>
        %get3A_44 = arith.index_cast %scan3A_40 : i32 to index
        %get3A_45 = arith.constant 0 : index
        %get3A_46 = tpu.vector_load %arg11[%get3A_44, %get3A_45] {strides = array<i32>} : memref<80x128xf32, #tpu.memory_space<vmem>>, vector<1x16xf32>,
        %get3A_47 = vector.shape_cast %get3A_46 : vector<1x16xf32> to vector<16xf32>
        %add3A_48 = arith.addf %get3A_43, %get3A_47 : vector<16xf32>
        %max3A = arith.constant 0.000000e+00 : f32
        %max3A_49 = vector.broadcast %max3A : f32 to vector<16xf32>
        %max3A_50 = arith.maximumf %add3A_48, %max3A_49 : vector<16xf32>
        %swap3A = arith.index_cast %scan3A_40 : i32 to index
        %swap3A_51 = arith.constant 0 : index
        %swap3A_52 = tpu.vector_load %arg10[%swap3A, %swap3A_51] {strides = array<i32>} : memref<80x128xf32, #tpu.memory_space<vmem>>, vector<1x16xf32>,
        %swap3A_53 = vector.shape_cast %swap3A_52 : vector<1x16xf32> to vector<16xf32>
        %swap3A_54 = vector.shape_cast %max3A_50 : vector<16xf32> to vector<1x16xf32>
        tpu.vector_store %arg10[%swap3A, %swap3A_51], %swap3A_54 {strides = array<i32>} : memref<80x128xf32, #tpu.memory_space<vmem>>, vector<1x16xf32>,
        %get3A_55 = arith.index_cast %scan3A_40 : i32 to index
        %get3A_56 = arith.constant 16 : index
        %get3A_57 = tpu.vector_load %arg10[%get3A_55, %get3A_56] {strides = array<i32>} : memref<80x128xf32, #tpu.memory_space<vmem>>, vector<1x16xf32>,
        %get3A_58 = vector.shape_cast %get3A_57 : vector<1x16xf32> to vector<16xf32>
        %get3A_59 = arith.index_cast %scan3A_40 : i32 to index
        %get3A_60 = arith.constant 16 : index
        %get3A_61 = tpu.vector_load %arg11[%get3A_59, %get3A_60] {strides = array<i32>} : memref<80x128xf32, #tpu.memory_space<vmem>>, vector<1x16xf32>,
        %get3A_62 = vector.shape_cast %get3A_61 : vector<1x16xf32> to vector<16xf32>
        %add3A_63 = arith.addf %get3A_58, %get3A_62 : vector<16xf32>
        %max3A_64 = arith.constant 0.000000e+00 : f32
        %max3A_65 = vector.broadcast %max3A_64 : f32 to vector<16xf32>
        %max3A_66 = arith.maximumf %add3A_63, %max3A_65 : vector<16xf32>
        %swap3A_67 = arith.index_cast %scan3A_40 : i32 to index
        %swap3A_68 = arith.constant 16 : index
        %swap3A_69 = tpu.vector_load %arg10[%swap3A_67, %swap3A_68] {strides = array<i32>} : memref<80x128xf32, #tpu.memory_space<vmem>>, vector<1x16xf32>,
        %swap3A_70 = vector.shape_cast %swap3A_69 : vector<1x16xf32> to vector<16xf32>
        %swap3A_71 = vector.shape_cast %max3A_66 : vector<16xf32> to vector<1x16xf32>
        tpu.vector_store %arg10[%swap3A_67, %swap3A_68], %swap3A_71 {strides = array<i32>} : memref<80x128xf32, #tpu.memory_space<vmem>>, vector<1x16xf32>,
        %get3A_72 = arith.index_cast %scan3A_40 : i32 to index
        %get3A_73 = arith.constant 32 : index
        %get3A_74 = tpu.vector_load %arg10[%get3A_72, %get3A_73] {strides = array<i32>} : memref<80x128xf32, #tpu.memory_space<vmem>>, vector<1x16xf32>,
        %get3A_75 = vector.shape_cast %get3A_74 : vector<1x16xf32> to vector<16xf32>
        %get3A_76 = arith.index_cast %scan3A_40 : i32 to index
        %get3A_77 = arith.constant 32 : index
        %get3A_78 = tpu.vector_load %arg11[%get3A_76, %get3A_77] {strides = array<i32>} : memref<80x128xf32, #tpu.memory_space<vmem>>, vector<1x16xf32>,
        %get3A_79 = vector.shape_cast %get3A_78 : vector<1x16xf32> to vector<16xf32>
        %add3A_80 = arith.addf %get3A_75, %get3A_79 : vector<16xf32>
        %max3A_81 = arith.constant 0.000000e+00 : f32
        %max3A_82 = vector.broadcast %max3A_81 : f32 to vector<16xf32>
        %max3A_83 = arith.maximumf %add3A_80, %max3A_82 : vector<16xf32>
        %swap3A_84 = arith.index_cast %scan3A_40 : i32 to index
        %swap3A_85 = arith.constant 32 : index
        %swap3A_86 = tpu.vector_load %arg10[%swap3A_84, %swap3A_85] {strides = array<i32>} : memref<80x128xf32, #tpu.memory_space<vmem>>, vector<1x16xf32>,
        %swap3A_87 = vector.shape_cast %swap3A_86 : vector<1x16xf32> to vector<16xf32>
        %swap3A_88 = vector.shape_cast %max3A_83 : vector<16xf32> to vector<1x16xf32>
        tpu.vector_store %arg10[%swap3A_84, %swap3A_85], %swap3A_88 {strides = array<i32>} : memref<80x128xf32, #tpu.memory_space<vmem>>, vector<1x16xf32>,
        %get3A_89 = arith.index_cast %scan3A_40 : i32 to index
        %get3A_90 = arith.constant 48 : index
        %get3A_91 = tpu.vector_load %arg10[%get3A_89, %get3A_90] {strides = array<i32>} : memref<80x128xf32, #tpu.memory_space<vmem>>, vector<1x16xf32>,
        %get3A_92 = vector.shape_cast %get3A_91 : vector<1x16xf32> to vector<16xf32>
        %get3A_93 = arith.index_cast %scan3A_40 : i32 to index
        %get3A_94 = arith.constant 48 : index
        %get3A_95 = tpu.vector_load %arg11[%get3A_93, %get3A_94] {strides = array<i32>} : memref<80x128xf32, #tpu.memory_space<vmem>>, vector<1x16xf32>,
        %get3A_96 = vector.shape_cast %get3A_95 : vector<1x16xf32> to vector<16xf32>
        %add3A_97 = arith.addf %get3A_92, %get3A_96 : vector<16xf32>
        %max3A_98 = arith.constant 0.000000e+00 : f32
        %max3A_99 = vector.broadcast %max3A_98 : f32 to vector<16xf32>
        %max3A_100 = arith.maximumf %add3A_97, %max3A_99 : vector<16xf32>
        %swap3A_101 = arith.index_cast %scan3A_40 : i32 to index
        %swap3A_102 = arith.constant 48 : index
        %swap3A_103 = tpu.vector_load %arg10[%swap3A_101, %swap3A_102] {strides = array<i32>} : memref<80x128xf32, #tpu.memory_space<vmem>>, vector<1x16xf32>,
        %swap3A_104 = vector.shape_cast %swap3A_103 : vector<1x16xf32> to vector<16xf32>
        %swap3A_105 = vector.shape_cast %max3A_100 : vector<16xf32> to vector<1x16xf32>
        tpu.vector_store %arg10[%swap3A_101, %swap3A_102], %swap3A_105 {strides = array<i32>} : memref<80x128xf32, #tpu.memory_space<vmem>>, vector<1x16xf32>,
        %get3A_106 = arith.index_cast %scan3A_40 : i32 to index
        %get3A_107 = arith.constant 64 : index
        %get3A_108 = tpu.vector_load %arg10[%get3A_106, %get3A_107] {strides = array<i32>} : memref<80x128xf32, #tpu.memory_space<vmem>>, vector<1x16xf32>,
        %get3A_109 = vector.shape_cast %get3A_108 : vector<1x16xf32> to vector<16xf32>
        %get3A_110 = arith.index_cast %scan3A_40 : i32 to index
        %get3A_111 = arith.constant 64 : index
        %get3A_112 = tpu.vector_load %arg11[%get3A_110, %get3A_111] {strides = array<i32>} : memref<80x128xf32, #tpu.memory_space<vmem>>, vector<1x16xf32>,
        %get3A_113 = vector.shape_cast %get3A_112 : vector<1x16xf32> to vector<16xf32>
        %add3A_114 = arith.addf %get3A_109, %get3A_113 : vector<16xf32>
        %max3A_115 = arith.constant 0.000000e+00 : f32
        %max3A_116 = vector.broadcast %max3A_115 : f32 to vector<16xf32>
        %max3A_117 = arith.maximumf %add3A_114, %max3A_116 : vector<16xf32>
        %swap3A_118 = arith.index_cast %scan3A_40 : i32 to index
        %swap3A_119 = arith.constant 64 : index
        %swap3A_120 = tpu.vector_load %arg10[%swap3A_118, %swap3A_119] {strides = array<i32>} : memref<80x128xf32, #tpu.memory_space<vmem>>, vector<1x16xf32>,
        %swap3A_121 = vector.shape_cast %swap3A_120 : vector<1x16xf32> to vector<16xf32>
        %swap3A_122 = vector.shape_cast %max3A_117 : vector<16xf32> to vector<1x16xf32>
        tpu.vector_store %arg10[%swap3A_118, %swap3A_119], %swap3A_122 {strides = array<i32>} : memref<80x128xf32, #tpu.memory_space<vmem>>, vector<1x16xf32>,
        %get3A_123 = arith.index_cast %scan3A_40 : i32 to index
        %get3A_124 = arith.constant 80 : index
        %get3A_125 = tpu.vector_load %arg10[%get3A_123, %get3A_124] {strides = array<i32>} : memref<80x128xf32, #tpu.memory_space<vmem>>, vector<1x16xf32>,
        %get3A_126 = vector.shape_cast %get3A_125 : vector<1x16xf32> to vector<16xf32>
        %get3A_127 = arith.index_cast %scan3A_40 : i32 to index
        %get3A_128 = arith.constant 80 : index
        %get3A_129 = tpu.vector_load %arg11[%get3A_127, %get3A_128] {strides = array<i32>} : memref<80x128xf32, #tpu.memory_space<vmem>>, vector<1x16xf32>,
        %get3A_130 = vector.shape_cast %get3A_129 : vector<1x16xf32> to vector<16xf32>
        %add3A_131 = arith.addf %get3A_126, %get3A_130 : vector<16xf32>
        %max3A_132 = arith.constant 0.000000e+00 : f32
        %max3A_133 = vector.broadcast %max3A_132 : f32 to vector<16xf32>
        %max3A_134 = arith.maximumf %add3A_131, %max3A_133 : vector<16xf32>
        %swap3A_135 = arith.index_cast %scan3A_40 : i32 to index
        %swap3A_136 = arith.constant 80 : index
        %swap3A_137 = tpu.vector_load %arg10[%swap3A_135, %swap3A_136] {strides = array<i32>} : memref<80x128xf32, #tpu.memory_space<vmem>>, vector<1x16xf32>,
        %swap3A_138 = vector.shape_cast %swap3A_137 : vector<1x16xf32> to vector<16xf32>
        %swap3A_139 = vector.shape_cast %max3A_134 : vector<16xf32> to vector<1x16xf32>
        tpu.vector_store %arg10[%swap3A_135, %swap3A_136], %swap3A_139 {strides = array<i32>} : memref<80x128xf32, #tpu.memory_space<vmem>>, vector<1x16xf32>,
        %get3A_140 = arith.index_cast %scan3A_40 : i32 to index
        %get3A_141 = arith.constant 96 : index
        %get3A_142 = tpu.vector_load %arg10[%get3A_140, %get3A_141] {strides = array<i32>} : memref<80x128xf32, #tpu.memory_space<vmem>>, vector<1x16xf32>,
        %get3A_143 = vector.shape_cast %get3A_142 : vector<1x16xf32> to vector<16xf32>
        %get3A_144 = arith.index_cast %scan3A_40 : i32 to index
        %get3A_145 = arith.constant 96 : index
        %get3A_146 = tpu.vector_load %arg11[%get3A_144, %get3A_145] {strides = array<i32>} : memref<80x128xf32, #tpu.memory_space<vmem>>, vector<1x16xf32>,
        %get3A_147 = vector.shape_cast %get3A_146 : vector<1x16xf32> to vector<16xf32>
        %add3A_148 = arith.addf %get3A_143, %get3A_147 : vector<16xf32>
        %max3A_149 = arith.constant 0.000000e+00 : f32
        %max3A_150 = vector.broadcast %max3A_149 : f32 to vector<16xf32>
        %max3A_151 = arith.maximumf %add3A_148, %max3A_150 : vector<16xf32>
        %swap3A_152 = arith.index_cast %scan3A_40 : i32 to index
        %swap3A_153 = arith.constant 96 : index
        %swap3A_154 = tpu.vector_load %arg10[%swap3A_152, %swap3A_153] {strides = array<i32>} : memref<80x128xf32, #tpu.memory_space<vmem>>, vector<1x16xf32>,
        %swap3A_155 = vector.shape_cast %swap3A_154 : vector<1x16xf32> to vector<16xf32>
        %swap3A_156 = vector.shape_cast %max3A_151 : vector<16xf32> to vector<1x16xf32>
        tpu.vector_store %arg10[%swap3A_152, %swap3A_153], %swap3A_156 {strides = array<i32>} : memref<80x128xf32, #tpu.memory_space<vmem>>, vector<1x16xf32>,
        %get3A_157 = arith.index_cast %scan3A_40 : i32 to index
        %get3A_158 = arith.constant 112 : index
        %get3A_159 = tpu.vector_load %arg10[%get3A_157, %get3A_158] {strides = array<i32>} : memref<80x128xf32, #tpu.memory_space<vmem>>, vector<1x16xf32>,
        %get3A_160 = vector.shape_cast %get3A_159 : vector<1x16xf32> to vector<16xf32>
        %get3A_161 = arith.index_cast %scan3A_40 : i32 to index
        %get3A_162 = arith.constant 112 : index
        %get3A_163 = tpu.vector_load %arg11[%get3A_161, %get3A_162] {strides = array<i32>} : memref<80x128xf32, #tpu.memory_space<vmem>>, vector<1x16xf32>,
        %get3A_164 = vector.shape_cast %get3A_163 : vector<1x16xf32> to vector<16xf32>
        %add3A_165 = arith.addf %get3A_160, %get3A_164 : vector<16xf32>
        %max3A_166 = arith.constant 0.000000e+00 : f32
        %max3A_167 = vector.broadcast %max3A_166 : f32 to vector<16xf32>
        %max3A_168 = arith.maximumf %add3A_165, %max3A_167 : vector<16xf32>
        %swap3A_169 = arith.index_cast %scan3A_40 : i32 to index
        %swap3A_170 = arith.constant 112 : index
        %swap3A_171 = tpu.vector_load %arg10[%swap3A_169, %swap3A_170] {strides = array<i32>} : memref<80x128xf32, #tpu.memory_space<vmem>>, vector<1x16xf32>,
        %swap3A_172 = vector.shape_cast %swap3A_171 : vector<1x16xf32> to vector<16xf32>
        %swap3A_173 = vector.shape_cast %max3A_168 : vector<16xf32> to vector<1x16xf32>
        tpu.vector_store %arg10[%swap3A_169, %swap3A_170], %swap3A_173 {strides = array<i32>} : memref<80x128xf32, #tpu.memory_space<vmem>>, vector<1x16xf32>,
      }
      %scan3A_39 = arith.constant 80 : i32
      "tpu.region"() ({
        %run_scoped3A = tpu.sem_alloc : memref<!tpu.dma_semaphore, #tpu.memory_space<semaphore_mem>>
        %dma_start3A_40 = arith.constant 0 : i32
        %dma_start3A_41 = arith.constant 0 : i32
        %dma_start3A_42 = tpu.memref_slice %arg12[%dma_start3A_40, %dma_start3A_41] : memref<10000x128xf32, #tpu.memory_space<vmem_shared>> -> memref<10000x128xf32, #tpu.memory_space<vmem_shared>>
        tpu.enqueue_indirect_dma source(%arg10 : memref<80x128xf32, #tpu.memory_space<vmem>>) target(%dma_start3A_42 : memref<10000x128xf32, #tpu.memory_space<vmem_shared>>) offsets(%arg9 : memref<80xi32, #tpu.memory_space<vmem>>) semaphore(%run_scoped3A : memref<!tpu.dma_semaphore, #tpu.memory_space<semaphore_mem>>) {add = true}
        %dma_wait3A_43 = arith.constant 0 : i32
        %dma_wait3A_44 = arith.constant 0 : i32
        %dma_wait3A_45 = tpu.memref_slice %arg12[%dma_wait3A_43, %dma_wait3A_44] : memref<10000x128xf32, #tpu.memory_space<vmem_shared>> -> memref<10000x128xf32, #tpu.memory_space<vmem_shared>>
        tpu.wait_indirect_dma semaphore(%run_scoped3A : memref<!tpu.dma_semaphore, #tpu.memory_space<semaphore_mem>>) src(%arg10 : memref<80x128xf32, #tpu.memory_space<vmem>>) dst(%dma_wait3A_45 : memref<10000x128xf32, #tpu.memory_space<vmem_shared>>)
        tpu.yield
      }) : () -> ()
    }
    %scan3A_9 = arith.constant 125 : i32
    %barrier3A_10 = arith.constant 0 : index
    tpu.barrier barrier_id(%barrier3A_10)
    "tpu.region"() ({
      %run_scoped3A = tpu.sem_alloc : memref<!tpu.dma_semaphore, #tpu.memory_space<semaphore_mem>>
      %dma_start3A = arith.constant 0 : i32
      %dma_start3A_16 = tpu.memref_slice %arg7[%arg0, %mul3A_2, %dma_start3A] : memref<2x10000x128xf32, #tpu.memory_space<hbm>> -> memref<1x624x128xf32, #tpu.memory_space<hbm>>
      %dma_start3A_17 = tpu.memref_squeeze %dma_start3A_16 : memref<1x624x128xf32, #tpu.memory_space<hbm>> -> memref<624x128xf32, #tpu.memory_space<hbm>>
      %dma_start3A_18 = arith.constant 0 : i32
      %dma_start3A_19 = tpu.memref_slice %arg12[%mul3A_2, %dma_start3A_18] : memref<10000x128xf32, #tpu.memory_space<vmem_shared>> -> memref<624x128xf32, #tpu.memory_space<vmem_shared>>
      tpu.enqueue_dma source(%dma_start3A_19 : memref<624x128xf32, #tpu.memory_space<vmem_shared>>) target(%dma_start3A_17 : memref<624x128xf32, #tpu.memory_space<hbm>>) target_semaphore(%run_scoped3A : memref<!tpu.dma_semaphore, #tpu.memory_space<semaphore_mem>>)
      %dma_wait3A = arith.constant 0 : i32
      %dma_wait3A_20 = tpu.memref_slice %arg7[%arg0, %mul3A_2, %dma_wait3A] : memref<2x10000x128xf32, #tpu.memory_space<hbm>> -> memref<1x624x128xf32, #tpu.memory_space<hbm>>
      %dma_wait3A_21 = tpu.memref_squeeze %dma_wait3A_20 : memref<1x624x128xf32, #tpu.memory_space<hbm>> -> memref<624x128xf32, #tpu.memory_space<hbm>>
      %dma_wait3A_22 = arith.constant 0 : i32
      %dma_wait3A_23 = tpu.memref_slice %arg12[%mul3A_2, %dma_wait3A_22] : memref<10000x128xf32, #tpu.memory_space<vmem_shared>> -> memref<624x128xf32, #tpu.memory_space<vmem_shared>>
      tpu.wait_dma2 semaphore(%run_scoped3A : memref<!tpu.dma_semaphore, #tpu.memory_space<semaphore_mem>>) src(%dma_wait3A_23 : memref<624x128xf32, #tpu.memory_space<vmem_shared>>) dst(%dma_wait3A_21 : memref<624x128xf32, #tpu.memory_space<hbm>>)
      tpu.yield
    }) : () -> ()
    %eq3A_11 = arith.constant 15 : i32
    %eq3A_12 = arith.cmpi eq, %arg1, %eq3A_11 : i32
    %convert_element_type3A_13 = arith.extui %eq3A_12 : i1 to i32
    %cond3A_14 = arith.constant 0 : i32
    %cond3A_15 = arith.cmpi ne, %convert_element_type3A_13, %cond3A_14 : i32
    scf.if %cond3A_15 {
      "tpu.region"() ({
        %run_scoped3A = tpu.sem_alloc : memref<!tpu.dma_semaphore, #tpu.memory_space<semaphore_mem>>
        %dma_start3A = arith.constant 9984 : i32
        %dma_start3A_16 = arith.constant 0 : i32
        %dma_start3A_17 = tpu.memref_slice %arg7[%arg0, %dma_start3A, %dma_start3A_16] : memref<2x10000x128xf32, #tpu.memory_space<hbm>> -> memref<1x16x128xf32, #tpu.memory_space<hbm>>
        %dma_start3A_18 = tpu.memref_squeeze %dma_start3A_17 : memref<1x16x128xf32, #tpu.memory_space<hbm>> -> memref<16x128xf32, #tpu.memory_space<hbm>>
        %dma_start3A_19 = arith.constant 9984 : i32
        %dma_start3A_20 = arith.constant 0 : i32
        %dma_start3A_21 = tpu.memref_slice %arg12[%dma_start3A_19, %dma_start3A_20] : memref<10000x128xf32, #tpu.memory_space<vmem_shared>> -> memref<16x128xf32, #tpu.memory_space<vmem_shared>>
        tpu.enqueue_dma source(%dma_start3A_21 : memref<16x128xf32, #tpu.memory_space<vmem_shared>>) target(%dma_start3A_18 : memref<16x128xf32, #tpu.memory_space<hbm>>) target_semaphore(%run_scoped3A : memref<!tpu.dma_semaphore, #tpu.memory_space<semaphore_mem>>)
        %dma_wait3A = arith.constant 9984 : i32
        %dma_wait3A_22 = arith.constant 0 : i32
        %dma_wait3A_23 = tpu.memref_slice %arg7[%arg0, %dma_wait3A, %dma_wait3A_22] : memref<2x10000x128xf32, #tpu.memory_space<hbm>> -> memref<1x16x128xf32, #tpu.memory_space<hbm>>
        %dma_wait3A_24 = tpu.memref_squeeze %dma_wait3A_23 : memref<1x16x128xf32, #tpu.memory_space<hbm>> -> memref<16x128xf32, #tpu.memory_space<hbm>>
        %dma_wait3A_25 = arith.constant 9984 : i32
        %dma_wait3A_26 = arith.constant 0 : i32
        %dma_wait3A_27 = tpu.memref_slice %arg12[%dma_wait3A_25, %dma_wait3A_26] : memref<10000x128xf32, #tpu.memory_space<vmem_shared>> -> memref<16x128xf32, #tpu.memory_space<vmem_shared>>
        tpu.wait_dma2 semaphore(%run_scoped3A : memref<!tpu.dma_semaphore, #tpu.memory_space<semaphore_mem>>) src(%dma_wait3A_27 : memref<16x128xf32, #tpu.memory_space<vmem_shared>>) dst(%dma_wait3A_24 : memref<16x128xf32, #tpu.memory_space<hbm>>)
        tpu.yield
      }) : () -> ()
    } else {
    }
    return
  }
}

#map = affine_map<(d0, d1) -> (0, 0)>
#map1 = affine_map<(d0, d1) -> (0)>
#map2 = affine_map<(d0, d1) -> (0, 0, 0)>
module attributes {stable_mosaic.version = 14 : i64} {
  func.func @agg_kernel(%arg0: i32, %arg1: i32, %arg2: memref<10000x128xf32, #tpu.memory_space<hbm>>, %arg3: memref<320000x128xf32, #tpu.memory_space<hbm>>, %arg4: memref<320000xi32, #tpu.memory_space<hbm>>, %arg5: memref<320000xi32, #tpu.memory_space<hbm>>, %arg6: memref<10000x128xf32, #tpu.memory_space<hbm>>, %arg7: memref<2x10000x128xf32, #tpu.memory_space<hbm>>, %arg8: memref<80xi32, #tpu.memory_space<vmem>>, %arg9: memref<80xi32, #tpu.memory_space<vmem>>, %arg10: memref<80x128xf32, #tpu.memory_space<vmem>>, %arg11: memref<80x128xf32, #tpu.memory_space<vmem>>, %arg12: memref<10000x128xf32, #tpu.memory_space<vmem_shared>>, %arg13: memref<!tpu.dma_semaphore, #tpu.memory_space<semaphore_mem>>, %arg14: memref<!tpu.dma_semaphore, #tpu.memory_space<semaphore_mem>>) attributes {dimension_semantics = [#tpu.dimension_semantics<core_parallel>, #tpu.dimension_semantics<subcore_parallel>], iteration_bounds = array<i64: 2, 16>, scalar_prefetch = 0 : i64, scratch_operands = 7 : i64, tpu.core_type = #tpu.core_type<sc_vector_subcore>, window_params = [{transform_indices = #map}, {transform_indices = #map}, {transform_indices = #map1}, {transform_indices = #map1}, {transform_indices = #map}, {transform_indices = #map2}]} {
    %mul3A = arith.constant 2 : i32
    %mul3A_0 = arith.muli %arg1, %mul3A : i32
    %add3A = arith.addi %mul3A_0, %arg0 : i32
    %mul3A_1 = arith.constant 624 : i32
    %mul3A_2 = arith.muli %arg1, %mul3A_1 : i32
    "tpu.region"() ({
      %run_scoped3A = tpu.sem_alloc : memref<!tpu.dma_semaphore, #tpu.memory_space<semaphore_mem>>
      %dma_start3A = arith.constant 0 : i32
      %dma_start3A_16 = tpu.memref_slice %arg12[%mul3A_2, %dma_start3A] : memref<10000x128xf32, #tpu.memory_space<vmem_shared>> -> memref<624x128xf32, #tpu.memory_space<vmem_shared>>
      %dma_start3A_17 = arith.constant 0 : i32
      %dma_start3A_18 = tpu.memref_slice %arg6[%mul3A_2, %dma_start3A_17] : memref<10000x128xf32, #tpu.memory_space<hbm>> -> memref<624x128xf32, #tpu.memory_space<hbm>>
      tpu.enqueue_dma source(%dma_start3A_18 : memref<624x128xf32, #tpu.memory_space<hbm>>) target(%dma_start3A_16 : memref<624x128xf32, #tpu.memory_space<vmem_shared>>) target_semaphore(%run_scoped3A : memref<!tpu.dma_semaphore, #tpu.memory_space<semaphore_mem>>)
      %dma_wait3A = arith.constant 0 : i32
      %dma_wait3A_19 = tpu.memref_slice %arg12[%mul3A_2, %dma_wait3A] : memref<10000x128xf32, #tpu.memory_space<vmem_shared>> -> memref<624x128xf32, #tpu.memory_space<vmem_shared>>
      %dma_wait3A_20 = arith.constant 0 : i32
      %dma_wait3A_21 = tpu.memref_slice %arg6[%mul3A_2, %dma_wait3A_20] : memref<10000x128xf32, #tpu.memory_space<hbm>> -> memref<624x128xf32, #tpu.memory_space<hbm>>
      tpu.wait_dma2 semaphore(%run_scoped3A : memref<!tpu.dma_semaphore, #tpu.memory_space<semaphore_mem>>) src(%dma_wait3A_21 : memref<624x128xf32, #tpu.memory_space<hbm>>) dst(%dma_wait3A_19 : memref<624x128xf32, #tpu.memory_space<vmem_shared>>)
      tpu.yield
    }) : () -> ()
    %eq3A = arith.constant 15 : i32
    %eq3A_3 = arith.cmpi eq, %arg1, %eq3A : i32
    %convert_element_type3A = arith.extui %eq3A_3 : i1 to i32
    %cond3A = arith.constant 0 : i32
    %cond3A_4 = arith.cmpi ne, %convert_element_type3A, %cond3A : i32
    scf.if %cond3A_4 {
      "tpu.region"() ({
        %run_scoped3A = tpu.sem_alloc : memref<!tpu.dma_semaphore, #tpu.memory_space<semaphore_mem>>
        %dma_start3A = arith.constant 9984 : i32
        %dma_start3A_16 = arith.constant 0 : i32
        %dma_start3A_17 = tpu.memref_slice %arg12[%dma_start3A, %dma_start3A_16] : memref<10000x128xf32, #tpu.memory_space<vmem_shared>> -> memref<16x128xf32, #tpu.memory_space<vmem_shared>>
        %dma_start3A_18 = arith.constant 9984 : i32
        %dma_start3A_19 = arith.constant 0 : i32
        %dma_start3A_20 = tpu.memref_slice %arg6[%dma_start3A_18, %dma_start3A_19] : memref<10000x128xf32, #tpu.memory_space<hbm>> -> memref<16x128xf32, #tpu.memory_space<hbm>>
        tpu.enqueue_dma source(%dma_start3A_20 : memref<16x128xf32, #tpu.memory_space<hbm>>) target(%dma_start3A_17 : memref<16x128xf32, #tpu.memory_space<vmem_shared>>) target_semaphore(%run_scoped3A : memref<!tpu.dma_semaphore, #tpu.memory_space<semaphore_mem>>)
        %dma_wait3A = arith.constant 9984 : i32
        %dma_wait3A_21 = arith.constant 0 : i32
        %dma_wait3A_22 = tpu.memref_slice %arg12[%dma_wait3A, %dma_wait3A_21] : memref<10000x128xf32, #tpu.memory_space<vmem_shared>> -> memref<16x128xf32, #tpu.memory_space<vmem_shared>>
        %dma_wait3A_23 = arith.constant 9984 : i32
        %dma_wait3A_24 = arith.constant 0 : i32
        %dma_wait3A_25 = tpu.memref_slice %arg6[%dma_wait3A_23, %dma_wait3A_24] : memref<10000x128xf32, #tpu.memory_space<hbm>> -> memref<16x128xf32, #tpu.memory_space<hbm>>
        tpu.wait_dma2 semaphore(%run_scoped3A : memref<!tpu.dma_semaphore, #tpu.memory_space<semaphore_mem>>) src(%dma_wait3A_25 : memref<16x128xf32, #tpu.memory_space<hbm>>) dst(%dma_wait3A_22 : memref<16x128xf32, #tpu.memory_space<vmem_shared>>)
        tpu.yield
      }) : () -> ()
    } else {
    }
    %barrier3A = arith.constant 0 : index
    tpu.barrier barrier_id(%barrier3A)
    %scan3A = arith.constant 0 : i32
    %scan3A_5 = arith.constant 0 : i32
    %scan3A_6 = arith.constant 125 : i32
    %scan3A_7 = arith.addi %scan3A_5, %scan3A_6 : i32
    %scan3A_8 = arith.constant 1 : i32
    scf.for %scan3A_16 = %scan3A_5 to %scan3A_7 step %scan3A_8  : i32 {
      %mul3A_17 = arith.constant 10000 : i32
      %mul3A_18 = arith.muli %add3A, %mul3A_17 : i32
      %mul3A_19 = arith.constant 80 : i32
      %mul3A_20 = arith.muli %scan3A_16, %mul3A_19 : i32
      %add3A_21 = arith.addi %mul3A_18, %mul3A_20 : i32
      "tpu.region"() ({
        %run_scoped3A = tpu.sem_alloc : memref<!tpu.dma_semaphore, #tpu.memory_space<semaphore_mem>>
        %dma_start3A_40 = tpu.memref_slice %arg4[%add3A_21] : memref<320000xi32, #tpu.memory_space<hbm>> -> memref<80xi32, #tpu.memory_space<hbm>>
        %dma_start3A_41 = tpu.memref_slice %arg4[%add3A_21] : memref<320000xi32, #tpu.memory_space<hbm>> -> memref<80xi32, #tpu.memory_space<hbm>>
        tpu.enqueue_dma source(%dma_start3A_41 : memref<80xi32, #tpu.memory_space<hbm>>) target(%arg8 : memref<80xi32, #tpu.memory_space<vmem>>) target_semaphore(%run_scoped3A : memref<!tpu.dma_semaphore, #tpu.memory_space<semaphore_mem>>)
        %dma_wait3A_42 = tpu.memref_slice %arg4[%add3A_21] : memref<320000xi32, #tpu.memory_space<hbm>> -> memref<80xi32, #tpu.memory_space<hbm>>
        %dma_wait3A_43 = tpu.memref_slice %arg4[%add3A_21] : memref<320000xi32, #tpu.memory_space<hbm>> -> memref<80xi32, #tpu.memory_space<hbm>>
        tpu.wait_dma2 semaphore(%run_scoped3A : memref<!tpu.dma_semaphore, #tpu.memory_space<semaphore_mem>>) src(%dma_wait3A_43 : memref<80xi32, #tpu.memory_space<hbm>>) dst(%arg8 : memref<80xi32, #tpu.memory_space<vmem>>)
        tpu.yield
      }) : () -> ()
      "tpu.region"() ({
        %run_scoped3A = tpu.sem_alloc : memref<!tpu.dma_semaphore, #tpu.memory_space<semaphore_mem>>
        %dma_start3A_40 = tpu.memref_slice %arg5[%add3A_21] : memref<320000xi32, #tpu.memory_space<hbm>> -> memref<80xi32, #tpu.memory_space<hbm>>
        %dma_start3A_41 = tpu.memref_slice %arg5[%add3A_21] : memref<320000xi32, #tpu.memory_space<hbm>> -> memref<80xi32, #tpu.memory_space<hbm>>
        tpu.enqueue_dma source(%dma_start3A_41 : memref<80xi32, #tpu.memory_space<hbm>>) target(%arg9 : memref<80xi32, #tpu.memory_space<vmem>>) target_semaphore(%run_scoped3A : memref<!tpu.dma_semaphore, #tpu.memory_space<semaphore_mem>>)
        %dma_wait3A_42 = tpu.memref_slice %arg5[%add3A_21] : memref<320000xi32, #tpu.memory_space<hbm>> -> memref<80xi32, #tpu.memory_space<hbm>>
        %dma_wait3A_43 = tpu.memref_slice %arg5[%add3A_21] : memref<320000xi32, #tpu.memory_space<hbm>> -> memref<80xi32, #tpu.memory_space<hbm>>
        tpu.wait_dma2 semaphore(%run_scoped3A : memref<!tpu.dma_semaphore, #tpu.memory_space<semaphore_mem>>) src(%dma_wait3A_43 : memref<80xi32, #tpu.memory_space<hbm>>) dst(%arg9 : memref<80xi32, #tpu.memory_space<vmem>>)
        tpu.yield
      }) : () -> ()
      %dma_start3A = arith.constant 0 : i32
      %dma_start3A_22 = arith.constant 0 : i32
      %dma_start3A_23 = tpu.memref_slice %arg2[%dma_start3A, %dma_start3A_22] : memref<10000x128xf32, #tpu.memory_space<hbm>> -> memref<10000x128xf32, #tpu.memory_space<hbm>>
      tpu.enqueue_indirect_dma source(%dma_start3A_23 : memref<10000x128xf32, #tpu.memory_space<hbm>>) target(%arg10 : memref<80x128xf32, #tpu.memory_space<vmem>>) offsets(%arg8 : memref<80xi32, #tpu.memory_space<vmem>>) semaphore(%arg13 : memref<!tpu.dma_semaphore, #tpu.memory_space<semaphore_mem>>)
      %dma_start3A_24 = arith.constant 0 : i32
      %dma_start3A_25 = tpu.memref_slice %arg3[%add3A_21, %dma_start3A_24] : memref<320000x128xf32, #tpu.memory_space<hbm>> -> memref<80x128xf32, #tpu.memory_space<hbm>>
      %dma_start3A_26 = arith.constant 0 : i32
      %dma_start3A_27 = tpu.memref_slice %arg3[%add3A_21, %dma_start3A_26] : memref<320000x128xf32, #tpu.memory_space<hbm>> -> memref<80x128xf32, #tpu.memory_space<hbm>>
      tpu.enqueue_dma source(%dma_start3A_27 : memref<80x128xf32, #tpu.memory_space<hbm>>) target(%arg11 : memref<80x128xf32, #tpu.memory_space<vmem>>) target_semaphore(%arg14 : memref<!tpu.dma_semaphore, #tpu.memory_space<semaphore_mem>>)
      %dma_wait3A = arith.constant 0 : i32
      %dma_wait3A_28 = arith.constant 0 : i32
      %dma_wait3A_29 = tpu.memref_slice %arg2[%dma_wait3A, %dma_wait3A_28] : memref<10000x128xf32, #tpu.memory_space<hbm>> -> memref<10000x128xf32, #tpu.memory_space<hbm>>
      tpu.wait_indirect_dma semaphore(%arg13 : memref<!tpu.dma_semaphore, #tpu.memory_space<semaphore_mem>>) src(%dma_wait3A_29 : memref<10000x128xf32, #tpu.memory_space<hbm>>) dst(%arg10 : memref<80x128xf32, #tpu.memory_space<vmem>>)
      %dma_wait3A_30 = arith.constant 0 : i32
      %dma_wait3A_31 = tpu.memref_slice %arg3[%add3A_21, %dma_wait3A_30] : memref<320000x128xf32, #tpu.memory_space<hbm>> -> memref<80x128xf32, #tpu.memory_space<hbm>>
      %dma_wait3A_32 = arith.constant 0 : i32
      %dma_wait3A_33 = tpu.memref_slice %arg3[%add3A_21, %dma_wait3A_32] : memref<320000x128xf32, #tpu.memory_space<hbm>> -> memref<80x128xf32, #tpu.memory_space<hbm>>
      tpu.wait_dma2 semaphore(%arg14 : memref<!tpu.dma_semaphore, #tpu.memory_space<semaphore_mem>>) src(%dma_wait3A_33 : memref<80x128xf32, #tpu.memory_space<hbm>>) dst(%arg11 : memref<80x128xf32, #tpu.memory_space<vmem>>)
      %scan3A_34 = arith.constant 0 : i32
      %scan3A_35 = arith.constant 0 : i32
      %scan3A_36 = arith.constant 80 : i32
      %scan3A_37 = arith.addi %scan3A_35, %scan3A_36 : i32
      %scan3A_38 = arith.constant 1 : i32
      scf.for %scan3A_40 = %scan3A_35 to %scan3A_37 step %scan3A_38  : i32 {
        %get3A = arith.index_cast %scan3A_40 : i32 to index
        %get3A_41 = arith.constant 0 : index
        %get3A_42 = tpu.vector_load %arg10[%get3A, %get3A_41] {strides = array<i32>} : memref<80x128xf32, #tpu.memory_space<vmem>>, vector<1x16xf32>,
        %get3A_43 = vector.shape_cast %get3A_42 : vector<1x16xf32> to vector<16xf32>
        %get3A_44 = arith.index_cast %scan3A_40 : i32 to index
        %get3A_45 = arith.constant 0 : index
        %get3A_46 = tpu.vector_load %arg11[%get3A_44, %get3A_45] {strides = array<i32>} : memref<80x128xf32, #tpu.memory_space<vmem>>, vector<1x16xf32>,
        %get3A_47 = vector.shape_cast %get3A_46 : vector<1x16xf32> to vector<16xf32>
        %add3A_48 = arith.addf %get3A_43, %get3A_47 : vector<16xf32>
        %max3A = arith.constant 0.000000e+00 : f32
        %max3A_49 = vector.broadcast %max3A : f32 to vector<16xf32>
        %max3A_50 = arith.maximumf %add3A_48, %max3A_49 : vector<16xf32>
        %swap3A = arith.index_cast %scan3A_40 : i32 to index
        %swap3A_51 = arith.constant 0 : index
        %swap3A_52 = tpu.vector_load %arg10[%swap3A, %swap3A_51] {strides = array<i32>} : memref<80x128xf32, #tpu.memory_space<vmem>>, vector<1x16xf32>,
        %swap3A_53 = vector.shape_cast %swap3A_52 : vector<1x16xf32> to vector<16xf32>
        %swap3A_54 = vector.shape_cast %max3A_50 : vector<16xf32> to vector<1x16xf32>
        tpu.vector_store %arg10[%swap3A, %swap3A_51], %swap3A_54 {strides = array<i32>} : memref<80x128xf32, #tpu.memory_space<vmem>>, vector<1x16xf32>,
        %get3A_55 = arith.index_cast %scan3A_40 : i32 to index
        %get3A_56 = arith.constant 16 : index
        %get3A_57 = tpu.vector_load %arg10[%get3A_55, %get3A_56] {strides = array<i32>} : memref<80x128xf32, #tpu.memory_space<vmem>>, vector<1x16xf32>,
        %get3A_58 = vector.shape_cast %get3A_57 : vector<1x16xf32> to vector<16xf32>
        %get3A_59 = arith.index_cast %scan3A_40 : i32 to index
        %get3A_60 = arith.constant 16 : index
        %get3A_61 = tpu.vector_load %arg11[%get3A_59, %get3A_60] {strides = array<i32>} : memref<80x128xf32, #tpu.memory_space<vmem>>, vector<1x16xf32>,
        %get3A_62 = vector.shape_cast %get3A_61 : vector<1x16xf32> to vector<16xf32>
        %add3A_63 = arith.addf %get3A_58, %get3A_62 : vector<16xf32>
        %max3A_64 = arith.constant 0.000000e+00 : f32
        %max3A_65 = vector.broadcast %max3A_64 : f32 to vector<16xf32>
        %max3A_66 = arith.maximumf %add3A_63, %max3A_65 : vector<16xf32>
        %swap3A_67 = arith.index_cast %scan3A_40 : i32 to index
        %swap3A_68 = arith.constant 16 : index
        %swap3A_69 = tpu.vector_load %arg10[%swap3A_67, %swap3A_68] {strides = array<i32>} : memref<80x128xf32, #tpu.memory_space<vmem>>, vector<1x16xf32>,
        %swap3A_70 = vector.shape_cast %swap3A_69 : vector<1x16xf32> to vector<16xf32>
        %swap3A_71 = vector.shape_cast %max3A_66 : vector<16xf32> to vector<1x16xf32>
        tpu.vector_store %arg10[%swap3A_67, %swap3A_68], %swap3A_71 {strides = array<i32>} : memref<80x128xf32, #tpu.memory_space<vmem>>, vector<1x16xf32>,
        %get3A_72 = arith.index_cast %scan3A_40 : i32 to index
        %get3A_73 = arith.constant 32 : index
        %get3A_74 = tpu.vector_load %arg10[%get3A_72, %get3A_73] {strides = array<i32>} : memref<80x128xf32, #tpu.memory_space<vmem>>, vector<1x16xf32>,
        %get3A_75 = vector.shape_cast %get3A_74 : vector<1x16xf32> to vector<16xf32>
        %get3A_76 = arith.index_cast %scan3A_40 : i32 to index
        %get3A_77 = arith.constant 32 : index
        %get3A_78 = tpu.vector_load %arg11[%get3A_76, %get3A_77] {strides = array<i32>} : memref<80x128xf32, #tpu.memory_space<vmem>>, vector<1x16xf32>,
        %get3A_79 = vector.shape_cast %get3A_78 : vector<1x16xf32> to vector<16xf32>
        %add3A_80 = arith.addf %get3A_75, %get3A_79 : vector<16xf32>
        %max3A_81 = arith.constant 0.000000e+00 : f32
        %max3A_82 = vector.broadcast %max3A_81 : f32 to vector<16xf32>
        %max3A_83 = arith.maximumf %add3A_80, %max3A_82 : vector<16xf32>
        %swap3A_84 = arith.index_cast %scan3A_40 : i32 to index
        %swap3A_85 = arith.constant 32 : index
        %swap3A_86 = tpu.vector_load %arg10[%swap3A_84, %swap3A_85] {strides = array<i32>} : memref<80x128xf32, #tpu.memory_space<vmem>>, vector<1x16xf32>,
        %swap3A_87 = vector.shape_cast %swap3A_86 : vector<1x16xf32> to vector<16xf32>
        %swap3A_88 = vector.shape_cast %max3A_83 : vector<16xf32> to vector<1x16xf32>
        tpu.vector_store %arg10[%swap3A_84, %swap3A_85], %swap3A_88 {strides = array<i32>} : memref<80x128xf32, #tpu.memory_space<vmem>>, vector<1x16xf32>,
        %get3A_89 = arith.index_cast %scan3A_40 : i32 to index
        %get3A_90 = arith.constant 48 : index
        %get3A_91 = tpu.vector_load %arg10[%get3A_89, %get3A_90] {strides = array<i32>} : memref<80x128xf32, #tpu.memory_space<vmem>>, vector<1x16xf32>,
        %get3A_92 = vector.shape_cast %get3A_91 : vector<1x16xf32> to vector<16xf32>
        %get3A_93 = arith.index_cast %scan3A_40 : i32 to index
        %get3A_94 = arith.constant 48 : index
        %get3A_95 = tpu.vector_load %arg11[%get3A_93, %get3A_94] {strides = array<i32>} : memref<80x128xf32, #tpu.memory_space<vmem>>, vector<1x16xf32>,
        %get3A_96 = vector.shape_cast %get3A_95 : vector<1x16xf32> to vector<16xf32>
        %add3A_97 = arith.addf %get3A_92, %get3A_96 : vector<16xf32>
        %max3A_98 = arith.constant 0.000000e+00 : f32
        %max3A_99 = vector.broadcast %max3A_98 : f32 to vector<16xf32>
        %max3A_100 = arith.maximumf %add3A_97, %max3A_99 : vector<16xf32>
        %swap3A_101 = arith.index_cast %scan3A_40 : i32 to index
        %swap3A_102 = arith.constant 48 : index
        %swap3A_103 = tpu.vector_load %arg10[%swap3A_101, %swap3A_102] {strides = array<i32>} : memref<80x128xf32, #tpu.memory_space<vmem>>, vector<1x16xf32>,
        %swap3A_104 = vector.shape_cast %swap3A_103 : vector<1x16xf32> to vector<16xf32>
        %swap3A_105 = vector.shape_cast %max3A_100 : vector<16xf32> to vector<1x16xf32>
        tpu.vector_store %arg10[%swap3A_101, %swap3A_102], %swap3A_105 {strides = array<i32>} : memref<80x128xf32, #tpu.memory_space<vmem>>, vector<1x16xf32>,
        %get3A_106 = arith.index_cast %scan3A_40 : i32 to index
        %get3A_107 = arith.constant 64 : index
        %get3A_108 = tpu.vector_load %arg10[%get3A_106, %get3A_107] {strides = array<i32>} : memref<80x128xf32, #tpu.memory_space<vmem>>, vector<1x16xf32>,
        %get3A_109 = vector.shape_cast %get3A_108 : vector<1x16xf32> to vector<16xf32>
        %get3A_110 = arith.index_cast %scan3A_40 : i32 to index
        %get3A_111 = arith.constant 64 : index
        %get3A_112 = tpu.vector_load %arg11[%get3A_110, %get3A_111] {strides = array<i32>} : memref<80x128xf32, #tpu.memory_space<vmem>>, vector<1x16xf32>,
        %get3A_113 = vector.shape_cast %get3A_112 : vector<1x16xf32> to vector<16xf32>
        %add3A_114 = arith.addf %get3A_109, %get3A_113 : vector<16xf32>
        %max3A_115 = arith.constant 0.000000e+00 : f32
        %max3A_116 = vector.broadcast %max3A_115 : f32 to vector<16xf32>
        %max3A_117 = arith.maximumf %add3A_114, %max3A_116 : vector<16xf32>
        %swap3A_118 = arith.index_cast %scan3A_40 : i32 to index
        %swap3A_119 = arith.constant 64 : index
        %swap3A_120 = tpu.vector_load %arg10[%swap3A_118, %swap3A_119] {strides = array<i32>} : memref<80x128xf32, #tpu.memory_space<vmem>>, vector<1x16xf32>,
        %swap3A_121 = vector.shape_cast %swap3A_120 : vector<1x16xf32> to vector<16xf32>
        %swap3A_122 = vector.shape_cast %max3A_117 : vector<16xf32> to vector<1x16xf32>
        tpu.vector_store %arg10[%swap3A_118, %swap3A_119], %swap3A_122 {strides = array<i32>} : memref<80x128xf32, #tpu.memory_space<vmem>>, vector<1x16xf32>,
        %get3A_123 = arith.index_cast %scan3A_40 : i32 to index
        %get3A_124 = arith.constant 80 : index
        %get3A_125 = tpu.vector_load %arg10[%get3A_123, %get3A_124] {strides = array<i32>} : memref<80x128xf32, #tpu.memory_space<vmem>>, vector<1x16xf32>,
        %get3A_126 = vector.shape_cast %get3A_125 : vector<1x16xf32> to vector<16xf32>
        %get3A_127 = arith.index_cast %scan3A_40 : i32 to index
        %get3A_128 = arith.constant 80 : index
        %get3A_129 = tpu.vector_load %arg11[%get3A_127, %get3A_128] {strides = array<i32>} : memref<80x128xf32, #tpu.memory_space<vmem>>, vector<1x16xf32>,
        %get3A_130 = vector.shape_cast %get3A_129 : vector<1x16xf32> to vector<16xf32>
        %add3A_131 = arith.addf %get3A_126, %get3A_130 : vector<16xf32>
        %max3A_132 = arith.constant 0.000000e+00 : f32
        %max3A_133 = vector.broadcast %max3A_132 : f32 to vector<16xf32>
        %max3A_134 = arith.maximumf %add3A_131, %max3A_133 : vector<16xf32>
        %swap3A_135 = arith.index_cast %scan3A_40 : i32 to index
        %swap3A_136 = arith.constant 80 : index
        %swap3A_137 = tpu.vector_load %arg10[%swap3A_135, %swap3A_136] {strides = array<i32>} : memref<80x128xf32, #tpu.memory_space<vmem>>, vector<1x16xf32>,
        %swap3A_138 = vector.shape_cast %swap3A_137 : vector<1x16xf32> to vector<16xf32>
        %swap3A_139 = vector.shape_cast %max3A_134 : vector<16xf32> to vector<1x16xf32>
        tpu.vector_store %arg10[%swap3A_135, %swap3A_136], %swap3A_139 {strides = array<i32>} : memref<80x128xf32, #tpu.memory_space<vmem>>, vector<1x16xf32>,
        %get3A_140 = arith.index_cast %scan3A_40 : i32 to index
        %get3A_141 = arith.constant 96 : index
        %get3A_142 = tpu.vector_load %arg10[%get3A_140, %get3A_141] {strides = array<i32>} : memref<80x128xf32, #tpu.memory_space<vmem>>, vector<1x16xf32>,
        %get3A_143 = vector.shape_cast %get3A_142 : vector<1x16xf32> to vector<16xf32>
        %get3A_144 = arith.index_cast %scan3A_40 : i32 to index
        %get3A_145 = arith.constant 96 : index
        %get3A_146 = tpu.vector_load %arg11[%get3A_144, %get3A_145] {strides = array<i32>} : memref<80x128xf32, #tpu.memory_space<vmem>>, vector<1x16xf32>,
        %get3A_147 = vector.shape_cast %get3A_146 : vector<1x16xf32> to vector<16xf32>
        %add3A_148 = arith.addf %get3A_143, %get3A_147 : vector<16xf32>
        %max3A_149 = arith.constant 0.000000e+00 : f32
        %max3A_150 = vector.broadcast %max3A_149 : f32 to vector<16xf32>
        %max3A_151 = arith.maximumf %add3A_148, %max3A_150 : vector<16xf32>
        %swap3A_152 = arith.index_cast %scan3A_40 : i32 to index
        %swap3A_153 = arith.constant 96 : index
        %swap3A_154 = tpu.vector_load %arg10[%swap3A_152, %swap3A_153] {strides = array<i32>} : memref<80x128xf32, #tpu.memory_space<vmem>>, vector<1x16xf32>,
        %swap3A_155 = vector.shape_cast %swap3A_154 : vector<1x16xf32> to vector<16xf32>
        %swap3A_156 = vector.shape_cast %max3A_151 : vector<16xf32> to vector<1x16xf32>
        tpu.vector_store %arg10[%swap3A_152, %swap3A_153], %swap3A_156 {strides = array<i32>} : memref<80x128xf32, #tpu.memory_space<vmem>>, vector<1x16xf32>,
        %get3A_157 = arith.index_cast %scan3A_40 : i32 to index
        %get3A_158 = arith.constant 112 : index
        %get3A_159 = tpu.vector_load %arg10[%get3A_157, %get3A_158] {strides = array<i32>} : memref<80x128xf32, #tpu.memory_space<vmem>>, vector<1x16xf32>,
        %get3A_160 = vector.shape_cast %get3A_159 : vector<1x16xf32> to vector<16xf32>
        %get3A_161 = arith.index_cast %scan3A_40 : i32 to index
        %get3A_162 = arith.constant 112 : index
        %get3A_163 = tpu.vector_load %arg11[%get3A_161, %get3A_162] {strides = array<i32>} : memref<80x128xf32, #tpu.memory_space<vmem>>, vector<1x16xf32>,
        %get3A_164 = vector.shape_cast %get3A_163 : vector<1x16xf32> to vector<16xf32>
        %add3A_165 = arith.addf %get3A_160, %get3A_164 : vector<16xf32>
        %max3A_166 = arith.constant 0.000000e+00 : f32
        %max3A_167 = vector.broadcast %max3A_166 : f32 to vector<16xf32>
        %max3A_168 = arith.maximumf %add3A_165, %max3A_167 : vector<16xf32>
        %swap3A_169 = arith.index_cast %scan3A_40 : i32 to index
        %swap3A_170 = arith.constant 112 : index
        %swap3A_171 = tpu.vector_load %arg10[%swap3A_169, %swap3A_170] {strides = array<i32>} : memref<80x128xf32, #tpu.memory_space<vmem>>, vector<1x16xf32>,
        %swap3A_172 = vector.shape_cast %swap3A_171 : vector<1x16xf32> to vector<16xf32>
        %swap3A_173 = vector.shape_cast %max3A_168 : vector<16xf32> to vector<1x16xf32>
        tpu.vector_store %arg10[%swap3A_169, %swap3A_170], %swap3A_173 {strides = array<i32>} : memref<80x128xf32, #tpu.memory_space<vmem>>, vector<1x16xf32>,
      }
      %scan3A_39 = arith.constant 80 : i32
      "tpu.region"() ({
        %run_scoped3A = tpu.sem_alloc : memref<!tpu.dma_semaphore, #tpu.memory_space<semaphore_mem>>
        %dma_start3A_40 = arith.constant 0 : i32
        %dma_start3A_41 = arith.constant 0 : i32
        %dma_start3A_42 = tpu.memref_slice %arg12[%dma_start3A_40, %dma_start3A_41] : memref<10000x128xf32, #tpu.memory_space<vmem_shared>> -> memref<10000x128xf32, #tpu.memory_space<vmem_shared>>
        tpu.enqueue_indirect_dma source(%arg10 : memref<80x128xf32, #tpu.memory_space<vmem>>) target(%dma_start3A_42 : memref<10000x128xf32, #tpu.memory_space<vmem_shared>>) offsets(%arg9 : memref<80xi32, #tpu.memory_space<vmem>>) semaphore(%run_scoped3A : memref<!tpu.dma_semaphore, #tpu.memory_space<semaphore_mem>>) {add = true}
        %dma_wait3A_43 = arith.constant 0 : i32
        %dma_wait3A_44 = arith.constant 0 : i32
        %dma_wait3A_45 = tpu.memref_slice %arg12[%dma_wait3A_43, %dma_wait3A_44] : memref<10000x128xf32, #tpu.memory_space<vmem_shared>> -> memref<10000x128xf32, #tpu.memory_space<vmem_shared>>
        tpu.wait_indirect_dma semaphore(%run_scoped3A : memref<!tpu.dma_semaphore, #tpu.memory_space<semaphore_mem>>) src(%arg10 : memref<80x128xf32, #tpu.memory_space<vmem>>) dst(%dma_wait3A_45 : memref<10000x128xf32, #tpu.memory_space<vmem_shared>>)
        tpu.yield
      }) : () -> ()
    }
    %scan3A_9 = arith.constant 125 : i32
    %barrier3A_10 = arith.constant 0 : index
    tpu.barrier barrier_id(%barrier3A_10)
    "tpu.region"() ({
      %run_scoped3A = tpu.sem_alloc : memref<!tpu.dma_semaphore, #tpu.memory_space<semaphore_mem>>
      %dma_start3A = arith.constant 0 : i32
      %dma_start3A_16 = tpu.memref_slice %arg7[%arg0, %mul3A_2, %dma_start3A] : memref<2x10000x128xf32, #tpu.memory_space<hbm>> -> memref<1x624x128xf32, #tpu.memory_space<hbm>>
      %dma_start3A_17 = tpu.memref_squeeze %dma_start3A_16 : memref<1x624x128xf32, #tpu.memory_space<hbm>> -> memref<624x128xf32, #tpu.memory_space<hbm>>
      %dma_start3A_18 = arith.constant 0 : i32
      %dma_start3A_19 = tpu.memref_slice %arg12[%mul3A_2, %dma_start3A_18] : memref<10000x128xf32, #tpu.memory_space<vmem_shared>> -> memref<624x128xf32, #tpu.memory_space<vmem_shared>>
      tpu.enqueue_dma source(%dma_start3A_19 : memref<624x128xf32, #tpu.memory_space<vmem_shared>>) target(%dma_start3A_17 : memref<624x128xf32, #tpu.memory_space<hbm>>) target_semaphore(%run_scoped3A : memref<!tpu.dma_semaphore, #tpu.memory_space<semaphore_mem>>)
      %dma_wait3A = arith.constant 0 : i32
      %dma_wait3A_20 = tpu.memref_slice %arg7[%arg0, %mul3A_2, %dma_wait3A] : memref<2x10000x128xf32, #tpu.memory_space<hbm>> -> memref<1x624x128xf32, #tpu.memory_space<hbm>>
      %dma_wait3A_21 = tpu.memref_squeeze %dma_wait3A_20 : memref<1x624x128xf32, #tpu.memory_space<hbm>> -> memref<624x128xf32, #tpu.memory_space<hbm>>
      %dma_wait3A_22 = arith.constant 0 : i32
      %dma_wait3A_23 = tpu.memref_slice %arg12[%mul3A_2, %dma_wait3A_22] : memref<10000x128xf32, #tpu.memory_space<vmem_shared>> -> memref<624x128xf32, #tpu.memory_space<vmem_shared>>
      tpu.wait_dma2 semaphore(%run_scoped3A : memref<!tpu.dma_semaphore, #tpu.memory_space<semaphore_mem>>) src(%dma_wait3A_23 : memref<624x128xf32, #tpu.memory_space<vmem_shared>>) dst(%dma_wait3A_21 : memref<624x128xf32, #tpu.memory_space<hbm>>)
      tpu.yield
    }) : () -> ()
    %eq3A_11 = arith.constant 15 : i32
    %eq3A_12 = arith.cmpi eq, %arg1, %eq3A_11 : i32
    %convert_element_type3A_13 = arith.extui %eq3A_12 : i1 to i32
    %cond3A_14 = arith.constant 0 : i32
    %cond3A_15 = arith.cmpi ne, %convert_element_type3A_13, %cond3A_14 : i32
    scf.if %cond3A_15 {
      "tpu.region"() ({
        %run_scoped3A = tpu.sem_alloc : memref<!tpu.dma_semaphore, #tpu.memory_space<semaphore_mem>>
        %dma_start3A = arith.constant 9984 : i32
        %dma_start3A_16 = arith.constant 0 : i32
        %dma_start3A_17 = tpu.memref_slice %arg7[%arg0, %dma_start3A, %dma_start3A_16] : memref<2x10000x128xf32, #tpu.memory_space<hbm>> -> memref<1x16x128xf32, #tpu.memory_space<hbm>>
        %dma_start3A_18 = tpu.memref_squeeze %dma_start3A_17 : memref<1x16x128xf32, #tpu.memory_space<hbm>> -> memref<16x128xf32, #tpu.memory_space<hbm>>
        %dma_start3A_19 = arith.constant 9984 : i32
        %dma_start3A_20 = arith.constant 0 : i32
        %dma_start3A_21 = tpu.memref_slice %arg12[%dma_start3A_19, %dma_start3A_20] : memref<10000x128xf32, #tpu.memory_space<vmem_shared>> -> memref<16x128xf32, #tpu.memory_space<vmem_shared>>
        tpu.enqueue_dma source(%dma_start3A_21 : memref<16x128xf32, #tpu.memory_space<vmem_shared>>) target(%dma_start3A_18 : memref<16x128xf32, #tpu.memory_space<hbm>>) target_semaphore(%run_scoped3A : memref<!tpu.dma_semaphore, #tpu.memory_space<semaphore_mem>>)
        %dma_wait3A = arith.constant 9984 : i32
        %dma_wait3A_22 = arith.constant 0 : i32
        %dma_wait3A_23 = tpu.memref_slice %arg7[%arg0, %dma_wait3A, %dma_wait3A_22] : memref<2x10000x128xf32, #tpu.memory_space<hbm>> -> memref<1x16x128xf32, #tpu.memory_space<hbm>>
        %dma_wait3A_24 = tpu.memref_squeeze %dma_wait3A_23 : memref<1x16x128xf32, #tpu.memory_space<hbm>> -> memref<16x128xf32, #tpu.memory_space<hbm>>
        %dma_wait3A_25 = arith.constant 9984 : i32
        %dma_wait3A_26 = arith.constant 0 : i32
        %dma_wait3A_27 = tpu.memref_slice %arg12[%dma_wait3A_25, %dma_wait3A_26] : memref<10000x128xf32, #tpu.memory_space<vmem_shared>> -> memref<16x128xf32, #tpu.memory_space<vmem_shared>>
        tpu.wait_dma2 semaphore(%run_scoped3A : memref<!tpu.dma_semaphore, #tpu.memory_space<semaphore_mem>>) src(%dma_wait3A_27 : memref<16x128xf32, #tpu.memory_space<vmem_shared>>) dst(%dma_wait3A_24 : memref<16x128xf32, #tpu.memory_space<hbm>>)
        tpu.yield
      }) : () -> ()
    } else {
    }
    return
  }
}

module attributes {stable_mosaic.version = 14 : i64} {
  func.func @_ea_body(%arg0: i32, %arg1: memref<5000x16xf32, #tpu.memory_space<vmem>>, %arg2: memref<128x16xf32, #tpu.memory_space<vmem>>, %arg3: memref<1x128xf32, #tpu.memory_space<vmem>>, %arg4: memref<128x128xf32, #tpu.memory_space<vmem>>, %arg5: memref<1x128xf32, #tpu.memory_space<vmem>>, %arg6: memref<5000x128xf32, #tpu.memory_space<vmem>>, %arg7: memref<5000x128xf32, #tpu.memory_space<vmem>>) attributes {dimension_semantics = [#tpu.dimension_semantics<arbitrary>], iteration_bounds = array<i64: 64>, scalar_prefetch = 0 : i64, scratch_operands = 0 : i64, tpu.core_type = #tpu.core_type<tc>, window_params = [{transform_indices = @transform_0, window_bounds = array<i64: 5000, 16>}, {pipeline_mode = #tpu.pipeline_mode<synchronous>, transform_indices = @transform_1, window_bounds = array<i64: 128, 16>}, {pipeline_mode = #tpu.pipeline_mode<synchronous>, transform_indices = @transform_2, window_bounds = array<i64: 1, 128>}, {pipeline_mode = #tpu.pipeline_mode<synchronous>, transform_indices = @transform_3, window_bounds = array<i64: 128, 128>}, {pipeline_mode = #tpu.pipeline_mode<synchronous>, transform_indices = @transform_4, window_bounds = array<i64: 1, 128>}, {transform_indices = @transform_5, window_bounds = array<i64: 5000, 128>}, {transform_indices = @transform_6, window_bounds = array<i64: 5000, 128>}]} {
    %get3A = arith.constant 0 : index
    %get3A_0 = arith.constant 0 : index
    %get3A_1 = vector.load %arg1[%get3A, %get3A_0] : memref<5000x16xf32, #tpu.memory_space<vmem>>, vector<5000x16xf32>
    %get3A_2 = arith.constant 0 : index
    %get3A_3 = arith.constant 0 : index
    %get3A_4 = vector.load %arg2[%get3A_2, %get3A_3] : memref<128x16xf32, #tpu.memory_space<vmem>>, vector<128x16xf32>
    %dot_general3A = arith.constant dense<0.000000e+00> : vector<5000x128xf32>
    %dot_general3A_5 = tpu.matmul %get3A_1, %get3A_4, %dot_general3A {dimension_numbers = #tpu.dot_dimension_numbers<[1], [1], [0], [0], [0, 0, 1, 0], [], []>, transpose_lhs_hint = false} : vector<5000x16xf32>, vector<128x16xf32>, vector<5000x128xf32> -> vector<5000x128xf32>
    %get3A_6 = arith.constant 0 : index
    %get3A_7 = arith.constant 0 : index
    %get3A_8 = vector.load %arg3[%get3A_6, %get3A_7] : memref<1x128xf32, #tpu.memory_space<vmem>>, vector<1x128xf32>
    %add3A = vector.broadcast %get3A_8 : vector<1x128xf32> to vector<5000x128xf32>
    %add3A_9 = arith.addf %dot_general3A_5, %add3A : vector<5000x128xf32>
    %swap3A = arith.constant 0 : index
    %swap3A_10 = arith.constant 0 : index
    %swap3A_11 = vector.load %arg6[%swap3A, %swap3A_10] : memref<5000x128xf32, #tpu.memory_space<vmem>>, vector<5000x128xf32>
    tpu.vector_store %arg6[%swap3A, %swap3A_10], %add3A_9 {strides = array<i32>} : memref<5000x128xf32, #tpu.memory_space<vmem>>, vector<5000x128xf32>,
    %get3A_12 = arith.constant 0 : index
    %get3A_13 = arith.constant 0 : index
    %get3A_14 = vector.load %arg4[%get3A_12, %get3A_13] : memref<128x128xf32, #tpu.memory_space<vmem>>, vector<128x128xf32>
    %dot_general3A_15 = arith.constant dense<0.000000e+00> : vector<5000x128xf32>
    %dot_general3A_16 = tpu.matmul %add3A_9, %get3A_14, %dot_general3A_15 {dimension_numbers = #tpu.dot_dimension_numbers<[1], [1], [0], [0], [0, 0, 1, 0], [], []>, transpose_lhs_hint = false} : vector<5000x128xf32>, vector<128x128xf32>, vector<5000x128xf32> -> vector<5000x128xf32>
    %get3A_17 = arith.constant 0 : index
    %get3A_18 = arith.constant 0 : index
    %get3A_19 = vector.load %arg5[%get3A_17, %get3A_18] : memref<1x128xf32, #tpu.memory_space<vmem>>, vector<1x128xf32>
    %add3A_20 = vector.broadcast %get3A_19 : vector<1x128xf32> to vector<5000x128xf32>
    %add3A_21 = arith.addf %dot_general3A_16, %add3A_20 : vector<5000x128xf32>
    %swap3A_22 = arith.constant 0 : index
    %swap3A_23 = arith.constant 0 : index
    %swap3A_24 = vector.load %arg7[%swap3A_22, %swap3A_23] : memref<5000x128xf32, #tpu.memory_space<vmem>>, vector<5000x128xf32>
    tpu.vector_store %arg7[%swap3A_22, %swap3A_23], %add3A_21 {strides = array<i32>} : memref<5000x128xf32, #tpu.memory_space<vmem>>, vector<5000x128xf32>,
    return
  }
  func.func @transform_0(%arg0: i32) -> (i32, i32) {
    %c0_i32 = arith.constant 0 : i32
    %c0_i32_0 = arith.constant 0 : i32
    return %arg0, %c0_i32 : i32, i32
  }
  func.func @transform_1(%arg0: i32) -> (i32, i32) {
    %c0_i32 = arith.constant 0 : i32
    %c0_i32_0 = arith.constant 0 : i32
    %c0_i32_1 = arith.constant 0 : i32
    return %c0_i32, %c0_i32_0 : i32, i32
  }
  func.func @transform_2(%arg0: i32) -> (i32, i32) {
    %c0_i32 = arith.constant 0 : i32
    %c0_i32_0 = arith.constant 0 : i32
    %c0_i32_1 = arith.constant 0 : i32
    return %c0_i32, %c0_i32_0 : i32, i32
  }
  func.func @transform_3(%arg0: i32) -> (i32, i32) {
    %c0_i32 = arith.constant 0 : i32
    %c0_i32_0 = arith.constant 0 : i32
    %c0_i32_1 = arith.constant 0 : i32
    return %c0_i32, %c0_i32_0 : i32, i32
  }
  func.func @transform_4(%arg0: i32) -> (i32, i32) {
    %c0_i32 = arith.constant 0 : i32
    %c0_i32_0 = arith.constant 0 : i32
    %c0_i32_1 = arith.constant 0 : i32
    return %c0_i32, %c0_i32_0 : i32, i32
  }
  func.func @transform_5(%arg0: i32) -> (i32, i32) {
    %c0_i32 = arith.constant 0 : i32
    %c0_i32_0 = arith.constant 0 : i32
    return %arg0, %c0_i32 : i32, i32
  }
  func.func @transform_6(%arg0: i32) -> (i32, i32) {
    %c0_i32 = arith.constant 0 : i32
    %c0_i32_0 = arith.constant 0 : i32
    return %arg0, %c0_i32 : i32, i32
  }
}

module attributes {stable_mosaic.version = 14 : i64} {
  func.func @_node_body(%arg0: i32, %arg1: memref<1000x128xf32, #tpu.memory_space<vmem>>, %arg2: memref<1000x128xf32, #tpu.memory_space<vmem>>, %arg3: memref<1000x128xf32, #tpu.memory_space<vmem>>, %arg4: memref<128x128xf32, #tpu.memory_space<vmem>>, %arg5: memref<1x128xf32, #tpu.memory_space<vmem>>, %arg6: memref<1000x128xf32, #tpu.memory_space<vmem>>) attributes {dimension_semantics = [#tpu.dimension_semantics<arbitrary>], iteration_bounds = array<i64: 10>, scalar_prefetch = 0 : i64, scratch_operands = 0 : i64, tpu.core_type = #tpu.core_type<tc>, window_params = [{transform_indices = @transform_0, window_bounds = array<i64: 1000, 128>}, {transform_indices = @transform_1, window_bounds = array<i64: 1000, 128>}, {transform_indices = @transform_2, window_bounds = array<i64: 1000, 128>}, {pipeline_mode = #tpu.pipeline_mode<synchronous>, transform_indices = @transform_3, window_bounds = array<i64: 128, 128>}, {pipeline_mode = #tpu.pipeline_mode<synchronous>, transform_indices = @transform_4, window_bounds = array<i64: 1, 128>}, {transform_indices = @transform_5, window_bounds = array<i64: 1000, 128>}]} {
    %get3A = arith.constant 0 : index
    %get3A_0 = arith.constant 0 : index
    %get3A_1 = vector.load %arg1[%get3A, %get3A_0] : memref<1000x128xf32, #tpu.memory_space<vmem>>, vector<1000x128xf32>
    %get3A_2 = arith.constant 0 : index
    %get3A_3 = arith.constant 0 : index
    %get3A_4 = vector.load %arg2[%get3A_2, %get3A_3] : memref<1000x128xf32, #tpu.memory_space<vmem>>, vector<1000x128xf32>
    %add3A = arith.addf %get3A_1, %get3A_4 : vector<1000x128xf32>
    %get3A_5 = arith.constant 0 : index
    %get3A_6 = arith.constant 0 : index
    %get3A_7 = vector.load %arg3[%get3A_5, %get3A_6] : memref<1000x128xf32, #tpu.memory_space<vmem>>, vector<1000x128xf32>
    %add3A_8 = arith.addf %add3A, %get3A_7 : vector<1000x128xf32>
    %get3A_9 = arith.constant 0 : index
    %get3A_10 = arith.constant 0 : index
    %get3A_11 = vector.load %arg4[%get3A_9, %get3A_10] : memref<128x128xf32, #tpu.memory_space<vmem>>, vector<128x128xf32>
    %dot_general3A = arith.constant dense<0.000000e+00> : vector<1000x128xf32>
    %dot_general3A_12 = tpu.matmul %add3A_8, %get3A_11, %dot_general3A {dimension_numbers = #tpu.dot_dimension_numbers<[1], [1], [0], [0], [0, 0, 1, 0], [], []>, transpose_lhs_hint = false} : vector<1000x128xf32>, vector<128x128xf32>, vector<1000x128xf32> -> vector<1000x128xf32>
    %get3A_13 = arith.constant 0 : index
    %get3A_14 = arith.constant 0 : index
    %get3A_15 = vector.load %arg5[%get3A_13, %get3A_14] : memref<1x128xf32, #tpu.memory_space<vmem>>, vector<1x128xf32>
    %add3A_16 = vector.broadcast %get3A_15 : vector<1x128xf32> to vector<1000x128xf32>
    %add3A_17 = arith.addf %dot_general3A_12, %add3A_16 : vector<1000x128xf32>
    %gt3A = arith.constant 0.000000e+00 : f32
    %gt3A_18 = vector.broadcast %gt3A : f32 to vector<1000x128xf32>
    %gt3A_19 = arith.cmpf ogt, %add3A_17, %gt3A_18 : vector<1000x128xf32>
    %exp3A = math.exp %add3A_17 : vector<1000x128xf32>
    %sub3A = arith.constant 1.000000e+00 : f32
    %sub3A_20 = vector.broadcast %sub3A : f32 to vector<1000x128xf32>
    %sub3A_21 = arith.subf %exp3A, %sub3A_20 : vector<1000x128xf32>
    %select_n3A = arith.select %gt3A_19, %add3A_17, %sub3A_21 : vector<1000x128xi1>, vector<1000x128xf32>
    %swap3A = arith.constant 0 : index
    %swap3A_22 = arith.constant 0 : index
    %swap3A_23 = vector.load %arg6[%swap3A, %swap3A_22] : memref<1000x128xf32, #tpu.memory_space<vmem>>, vector<1000x128xf32>
    tpu.vector_store %arg6[%swap3A, %swap3A_22], %select_n3A {strides = array<i32>} : memref<1000x128xf32, #tpu.memory_space<vmem>>, vector<1000x128xf32>,
    return
  }
  func.func @transform_0(%arg0: i32) -> (i32, i32) {
    %c0_i32 = arith.constant 0 : i32
    %c0_i32_0 = arith.constant 0 : i32
    return %arg0, %c0_i32 : i32, i32
  }
  func.func @transform_1(%arg0: i32) -> (i32, i32) {
    %c0_i32 = arith.constant 0 : i32
    %c0_i32_0 = arith.constant 0 : i32
    return %arg0, %c0_i32 : i32, i32
  }
  func.func @transform_2(%arg0: i32) -> (i32, i32) {
    %c0_i32 = arith.constant 0 : i32
    %c0_i32_0 = arith.constant 0 : i32
    return %arg0, %c0_i32 : i32, i32
  }
  func.func @transform_3(%arg0: i32) -> (i32, i32) {
    %c0_i32 = arith.constant 0 : i32
    %c0_i32_0 = arith.constant 0 : i32
    %c0_i32_1 = arith.constant 0 : i32
    return %c0_i32, %c0_i32_0 : i32, i32
  }
  func.func @transform_4(%arg0: i32) -> (i32, i32) {
    %c0_i32 = arith.constant 0 : i32
    %c0_i32_0 = arith.constant 0 : i32
    %c0_i32_1 = arith.constant 0 : i32
    return %c0_i32, %c0_i32_0 : i32, i32
  }
  func.func @transform_5(%arg0: i32) -> (i32, i32) {
    %c0_i32 = arith.constant 0 : i32
    %c0_i32_0 = arith.constant 0 : i32
    return %arg0, %c0_i32 : i32, i32
  }
}

module attributes {stable_mosaic.version = 14 : i64} {
  func.func @_head_body(%arg0: memref<10000x128xf32, #tpu.memory_space<vmem>>, %arg1: memref<1x10000xi32, #tpu.memory_space<vmem>>, %arg2: memref<128x128xf32, #tpu.memory_space<vmem>>, %arg3: memref<1x128xf32, #tpu.memory_space<vmem>>, %arg4: memref<128x128xf32, #tpu.memory_space<vmem>>, %arg5: memref<1x128xf32, #tpu.memory_space<vmem>>, %arg6: memref<64x128xf32, #tpu.memory_space<vmem>>) attributes {dimension_semantics = [], scalar_prefetch = 0 : i64, scratch_operands = 0 : i64, tpu.core_type = #tpu.core_type<tc>} {
    %iota3A = tpu.iota {dimensions = array<i32: 0>} : vector<64x10000xi32>
    %get3A = arith.constant 0 : index
    %get3A_0 = arith.constant 0 : index
    %get3A_1 = vector.load %arg1[%get3A, %get3A_0] : memref<1x10000xi32, #tpu.memory_space<vmem>>, vector<1x10000xi32>
    %eq3A = vector.broadcast %get3A_1 : vector<1x10000xi32> to vector<64x10000xi32>
    %eq3A_2 = arith.cmpi eq, %iota3A, %eq3A : vector<64x10000xi32>
    %convert_element_type3A = arith.extui %eq3A_2 : vector<64x10000xi1> to vector<64x10000xi32>
    %convert_element_type3A_3 = arith.sitofp %convert_element_type3A : vector<64x10000xi32> to vector<64x10000xf32>
    %get3A_4 = arith.constant 0 : index
    %get3A_5 = arith.constant 0 : index
    %get3A_6 = vector.load %arg0[%get3A_4, %get3A_5] : memref<10000x128xf32, #tpu.memory_space<vmem>>, vector<10000x128xf32>
    %dot_general3A = arith.constant dense<0.000000e+00> : vector<64x128xf32>
    %dot_general3A_7 = tpu.matmul %convert_element_type3A_3, %get3A_6, %dot_general3A {dimension_numbers = #tpu.dot_dimension_numbers<[1], [0], [0], [1], [0, 0, 1, 1], [], []>, precision = #tpu.contract_precision<fp32>, transpose_lhs_hint = false} : vector<64x10000xf32>, vector<10000x128xf32>, vector<64x128xf32> -> vector<64x128xf32>
    %get3A_8 = arith.constant 0 : index
    %get3A_9 = arith.constant 0 : index
    %get3A_10 = vector.load %arg2[%get3A_8, %get3A_9] : memref<128x128xf32, #tpu.memory_space<vmem>>, vector<128x128xf32>
    %dot_general3A_11 = arith.constant dense<0.000000e+00> : vector<64x128xf32>
    %dot_general3A_12 = tpu.matmul %dot_general3A_7, %get3A_10, %dot_general3A_11 {dimension_numbers = #tpu.dot_dimension_numbers<[1], [1], [0], [0], [0, 0, 1, 0], [], []>, transpose_lhs_hint = false} : vector<64x128xf32>, vector<128x128xf32>, vector<64x128xf32> -> vector<64x128xf32>
    %get3A_13 = arith.constant 0 : index
    %get3A_14 = arith.constant 0 : index
    %get3A_15 = vector.load %arg3[%get3A_13, %get3A_14] : memref<1x128xf32, #tpu.memory_space<vmem>>, vector<1x128xf32>
    %add3A = vector.broadcast %get3A_15 : vector<1x128xf32> to vector<64x128xf32>
    %add3A_16 = arith.addf %dot_general3A_12, %add3A : vector<64x128xf32>
    %get3A_17 = arith.constant 0 : index
    %get3A_18 = arith.constant 0 : index
    %get3A_19 = vector.load %arg4[%get3A_17, %get3A_18] : memref<128x128xf32, #tpu.memory_space<vmem>>, vector<128x128xf32>
    %dot_general3A_20 = arith.constant dense<0.000000e+00> : vector<64x128xf32>
    %dot_general3A_21 = tpu.matmul %add3A_16, %get3A_19, %dot_general3A_20 {dimension_numbers = #tpu.dot_dimension_numbers<[1], [1], [0], [0], [0, 0, 1, 0], [], []>, transpose_lhs_hint = false} : vector<64x128xf32>, vector<128x128xf32>, vector<64x128xf32> -> vector<64x128xf32>
    %get3A_22 = arith.constant 0 : index
    %get3A_23 = arith.constant 0 : index
    %get3A_24 = vector.load %arg5[%get3A_22, %get3A_23] : memref<1x128xf32, #tpu.memory_space<vmem>>, vector<1x128xf32>
    %add3A_25 = vector.broadcast %get3A_24 : vector<1x128xf32> to vector<64x128xf32>
    %add3A_26 = arith.addf %dot_general3A_21, %add3A_25 : vector<64x128xf32>
    %swap3A = arith.constant 0 : index
    %swap3A_27 = arith.constant 0 : index
    %swap3A_28 = vector.load %arg6[%swap3A, %swap3A_27] : memref<64x128xf32, #tpu.memory_space<vmem>>, vector<64x128xf32>
    tpu.vector_store %arg6[%swap3A, %swap3A_27], %add3A_26 {strides = array<i32>} : memref<64x128xf32, #tpu.memory_space<vmem>>, vector<64x128xf32>,
    return
  }
}

</mosaic_0001>

<sc_bundles>
// kernel: kernel.10.cloned.1.call-start
scs
__scs_entry_jumppad:
0x0: {  	(pc) =	sbr.rel $0x88, $3  }
0x1: {  	(tag) =	ssettag $0x0;
	lr =	simm.s32 $0x1  }
0x2: {  	[smem:$0x3F8F] =	sst lr;
	_ =	strace $0xD0000000  }
0x3: {  	_ = 	snop  }
0x4: {  	_ = 	snop  }
0x5: {  	_ = 	snop  }
0x6: {  	_ = 	snop  }
0x7: {  	_ = 	snop  }
__scs_overlays_trampoline_lowered:
0x8: {  	[smem:$0x3F9E] =	sst s0  }
0x9: {  	[smem:$0x3F9F] =	sst s1  }
0xa: {  	[smem:$0x3FA0] =	sst s2  }
0xb: {  	[smem:$0x3FA1] =	sst s3  }
0xc: {  	[smem:$0x3FA2] =	sst s4  }
0xd: {  	[smem:$0x3FA3] =	sst s5  }
0xe: {  	[smem:$0x3FA4] =	sst s6  }
0xf: {  	[smem:$0x3FA5] =	sst s7  }
0x10: {  	[smem:$0x3FA6] =	sst s8  }
0x11: {  	[smem:$0x3FA7] =	sst s9;
	s0 =	simm.s32 @!p0 $0x0  }
0x12: {  	s1 =	sld [smem:$0x3F8D];
	s0 =	simm.s32 @p0 $0x1  }
0x13: {  	[smem:$0x3FA8] =	sst s0;
	s0 =	simm.s32 @!p1 $0x0  }
0x14: {  	s2 =	sld [smem:$0x3F8C];
	s0 =	simm.s32 @p1 $0x1  }
0x15: {  	[smem:$0x3FA9] =	sst s0;
	s0 =	simm.s32 @!p2 $0x0  }
0x16: {  	s3 =	sld [smem:$0x3FDB];
	s0 =	simm.s32 @p2 $0x1  }
0x17: {  	s4 =	simm.s32 $0x1BF5;
	[smem:$0x3FAB] =	sst s0  }
0x18: {  	s0 =	sld [smem:$0x3F8E];
	_ =	swait.ge [sflag:s4], $0x0  }
0x19: {  	s7 =	sld [smem:$0x3F8F]  }
0x1a: {  	s8 =	sadd.s32 $0xFFFFE003, lr  }
0x1b: {  	s9 =	sadd.s32 $0xFFFFFEF7, lr;
	s5 =	simm.s32 $0xFFFFFFFF;
	p2 =	slt.u32 s8, $0xFFFFF086  }
0x1c: {  	p1 =	slt.u32 s9, $0xF7A;
	s5 =	simm.s32 @!p2 $0x0  }
0x1d: {  	s5 =	simm.s32 @p1 $0x1;
	p0 =	seq.s32 s7, s2  }
0x1e: {  	s7 =	smul.u32 @!p0 $0xF7A, s2;
	p2 =	seq.s32 @!p0 s5, $0x0  }
0x1f: {  	s9 =	smul.u32 $0xF7A, s1;
	s8 =	simm.s32 @!p0 $0x1BF5;
	p2 =	por !p2, p0  }
0x20: {  	[sflag:s8] =	ssyncset.s32 @!p0 $0xFFFFF086;
	s6 =	sadd.s32 @!p0 s3, s7;
	s7 =	simm.s32 @!p0 $0x108  }
0x21: {  	s3 =	sadd.s32 s3, s9;
	s6 =	sadd.s32 @!p0 $0x88, s6;
	s7 =	simm.s32 @p2 $0x1082  }
0x22: {  	[simem:s7], [sflag:s8] =	dma.local @!p0 [hbm:s6], $0xF7A  }
0x23: {  	s9 =	sor.u32 $0xD0000000, s2;
	s6 =	simm.s32 $0x108;
	_ =	swait.ge @!p0 [sflag:s8], $0x0  }
0x24: {  	s3 =	sadd.s32 $0x88, s3;
	s6 =	simm.s32 @!p1 $0x1082;
	[sflag:s4] =	ssyncset.s32 $0xFFFFF086  }
0x25: {  	[simem:s6], [sflag:s4] =	dma.local [hbm:s3], $0xF7A  }
0x26: {  	[smem:$0x3F8F] =	sst s1;
	(tag) =	ssettag s2;
	_ =	strace s9  }
0x27: {  	s1 =	sld [smem:$0x3F9F]  }
0x28: {  	s2 =	sld [smem:$0x3FA0]  }
0x29: {  	s4 =	sld [smem:$0x3FA2]  }
0x2a: {  	p0 =	seq.s32 s5, $0x0;
	s5 =	sld [smem:$0x3FA3]  }
0x2b: {  	s6 =	sld [smem:$0x3FA4]  }
0x2c: {  	s7 =	sld [smem:$0x3FA5]  }
0x2d: {  	s3 =	simm.s32 $0x108;
	s8 =	sld [smem:$0x3FA6]  }
0x2e: {  	s3 =	simm.s32 @!p0 $0x1082;
	s9 =	sld [smem:$0x3FA7]  }
0x2f: {  	lr =	sadd.s32 s0, s3;
	s0 =	sld [smem:$0x3F9E]  }
0x30: {  	s3 =	sld [smem:$0x3FA1]  }
0x31: {  	[smem:$0x3FAA] =	sst s10  }
0x32: {  	s10 =	sld [smem:$0x3FA8];
	_ =	sdelay $0x3  }
0x33: {  	p0 =	seq.s32 s10, $0x1;
	s10 =	sld [smem:$0x3FAA];
	_ =	sdelay $0x3  }
0x34: {  	[smem:$0x3FAA] =	sst s10  }
0x35: {  	s10 =	sld [smem:$0x3FA9];
	_ =	sdelay $0x3  }
0x36: {  	p1 =	seq.s32 s10, $0x1;
	s10 =	sld [smem:$0x3FAA];
	_ =	sdelay $0x3  }
0x37: {  	[smem:$0x3FAA] =	sst s10  }
0x38: {  	s10 =	sld [smem:$0x3FAB]  }
0x39: {  	_ = 	snop;
	(pc) =	sbr.ind lr, $3  }
0x3a: {  	_ = 	snop  }
0x3b: {  	_ = 	snop  }
0x3c: {  	p2 =	seq.s32 s10, $0x1;
	s10 =	sld [smem:$0x3FAA]  }
0x3d: {  	_ =	shalt  }
0x3e: {  	_ =	shalt  }
0x3f: {  	_ =	shalt  }
0x40: {  	_ =	shalt  }
0x41: {  	_ =	shalt  }
0x42: {  	_ =	shalt  }
0x43: {  	_ =	shalt  }
0x44: {  	_ =	shalt  }
0x45: {  	_ =	shalt  }
0x46: {  	_ =	shalt  }
0x47: {  	_ =	shalt  }
0x48: {  	_ =	shalt  }
0x49: {  	_ =	shalt  }
0x4a: {  	_ =	shalt  }
0x4b: {  	_ =	shalt  }
0x4c: {  	_ =	shalt  }
0x4d: {  	_ =	shalt  }
0x4e: {  	_ =	shalt  }
0x4f: {  	_ =	shalt  }
0x50: {  	_ =	shalt  }
0x51: {  	_ =	shalt  }
0x52: {  	_ =	shalt  }
0x53: {  	_ =	shalt  }
0x54: {  	_ =	shalt  }
0x55: {  	_ =	shalt  }
0x56: {  	_ =	shalt  }
0x57: {  	_ =	shalt  }
0x58: {  	_ =	shalt  }
0x59: {  	_ =	shalt  }
0x5a: {  	_ =	shalt  }
0x5b: {  	_ =	shalt  }
0x5c: {  	_ =	shalt  }
0x5d: {  	_ =	shalt  }
0x5e: {  	_ =	shalt  }
0x5f: {  	_ =	shalt  }
0x60: {  	_ =	shalt  }
0x61: {  	_ =	shalt  }
0x62: {  	_ =	shalt  }
0x63: {  	_ =	shalt  }
0x64: {  	_ =	shalt  }
0x65: {  	_ =	shalt  }
0x66: {  	_ =	shalt  }
0x67: {  	_ =	shalt  }
0x68: {  	_ =	shalt  }
0x69: {  	_ =	shalt  }
0x6a: {  	_ =	shalt  }
0x6b: {  	_ =	shalt  }
0x6c: {  	_ =	shalt  }
0x6d: {  	_ =	shalt  }
0x6e: {  	_ =	shalt  }
0x6f: {  	_ =	shalt  }
0x70: {  	_ =	shalt  }
0x71: {  	_ =	shalt  }
0x72: {  	_ =	shalt  }
0x73: {  	_ =	shalt  }
0x74: {  	_ =	shalt  }
0x75: {  	_ =	shalt  }
0x76: {  	_ =	shalt  }
0x77: {  	_ =	shalt  }
0x78: {  	_ =	shalt  }
0x79: {  	_ =	shalt  }
0x7a: {  	_ =	shalt  }
0x7b: {  	_ =	shalt  }
0x7c: {  	_ =	shalt  }
0x7d: {  	_ =	shalt  }
0x7e: {  	_ =	shalt  }
0x7f: {  	_ =	shalt  }
0x80: {  	_ =	shalt  }
0x81: {  	_ =	shalt  }
0x82: {  	_ =	shalt  }
0x83: {  	_ =	shalt  }
0x84: {  	_ =	shalt  }
0x85: {  	_ =	shalt  }
0x86: {  	_ =	shalt  }
0x87: {  	_ =	shalt  }
.Lfunc_end0:
.L_simem_size_0:
called_computation_lowered:
.L_overlay_start_0:
0x88: {  	s2 =	sld [smem:$0x3FD9]  }
0x89: {  	s3 =	sld [smem:$0x3FFE];
	_ =	sdelay $0x1  }
0x8a: {  	s1 =	srdreg.scid  }
0x8b: {  	s0 =	sand.u32 $0x1, s1  }
0x8c: {  	s17 =	sshll.u32 s0, $0xA;
	s2 =	sadd.s32 s3, s2  }
0x8d: {  	s2 =	sadd.s32 s2, s17  }
0x8e: {  	[smem:$0x3FB6] =	sst s2  }
0x8f: {  	_ = 	snop  }
0x90: {  	s2 =	sld [smem:$0x3FC9];
	(tm) =	ssettm $0x1  }
0x91: {  	s18 =	sld [smem:$0x3FFB];
	_ =	sdelay $0x3  }
0x92: {  	_ =	strace s18  }
0x93: {  	s3 =	sld [smem:$0x3FFC];
	_ =	sdelay $0x3  }
0x94: {  	_ =	strace s3  }
0x95: {  	s3 =	sld [smem:$0x3FFD];
	_ =	sdelay $0x3  }
0x96: {  	_ =	strace s3  }
0x97: {  	_ =	strace $0x8FFFFFFF  }
0x98: {  	s19 =	sld [smem:$0x3FDB];
	_ =	sdelay $0x1  }
0x99: {  	s4 =	simm.s32 $_scs_section_size  }
0x9a: {  	s5 =	simm.s32 $_size__tile_overlayer_lowered;
	s6 =	simm.s32 $_tile_overlayer_lowered  }
0x9b: {  	s22 =	simm.s32 $0x1BFF;
	s21 =	sshll.u32 s6, $0x1;
	s3 =	sadd.s32 s4, s19  }
0x9c: {  	s7 =	simm.s32 $0x0;
	s20 =	sshll.u32 s5, $0x1;
	s5 =	sadd.s32 s21, s3  }
0x9d: {  	[timem:s7], [sflag:s22] =	dma.local [hbm:s5], s20  }
0x9e: {  	_ =	swait.ge [sflag:s22], s20  }
0x9f: {  	s4 =	ssub.s32 $0x0, s20;
	[sflag:s22] =	ssyncset.done $0x0  }
0xa0: {  	[sflag:s22] =	ssyncadd.s32 s4;
	_ =	sdelay $0x1  }
0xa1: {  	s23 =	simm.s32 $0x1B8B  }
0xa2: {  	_ =	swait.ge [sflag:s23], $0x1  }
0xa3: {  	[sflag:s23] =	ssyncset.done $0x0  }
0xa4: {  	s25 =	simm.s32 $0x1B8E;
	s24 =	sld [smem:$0x3FFE];
	[sflag:s23] =	ssyncadd.s32 $0xFFFFFFFF  }
0xa5: {  	s26 =	simm.s32 $execute0_lowered;
	[smem:$0x3FD2] =	sst s25  }
0xa6: {  	s5 =	sshll.u32 s26, $0x1;
	_ =	strace $0x80000046;
	[dreg:$0x1] =	wrdreg $0xFFFFFFFF  }
0xa7: {  	s28 =	simm.s32 $_size_execute0_lowered;
	s3 =	sadd.s32 s3, s5;
	[dreg:$0x0] =	wrdreg $0x0  }
0xa8: {  	s5 =	sshll.u32 s28, $0x1;
	[dreg:$0x2] =	wrdreg s3  }
0xa9: {  	[dreg:$0x3] =	wrdreg s5  }
0xaa: {  	[dreg:$0x4] =	wrdreg $0xC0  }
0xab: {  	_ =	task [dreg:s7], $0x5FFFF  }
0xac: {  	[dreg:$0x1] =	wrdreg $0xFFFFFFFF  }
0xad: {  	[dreg:$0x0] =	wrdreg $0x60  }
0xae: {  	[dreg:$0x2] =	wrdreg s2  }
0xaf: {  	[dreg:$0x3] =	wrdreg s24  }
0xb0: {  	[dreg:$0x4] =	wrdreg $0x51000  }
0xb1: {  	[dreg:$0x5] =	wrdreg $0x9  }
0xb2: {  	_ =	task.clear_ibuf [dreg:s7], $0x6FFFF;
	_ =	strace $0x90000046  }
0xb3: {  	s29 =	simm.s32 $0x9;
	_ =	strace $0x80000048  }
0xb4: {  	_ =	swait.ge [sflag:s29], $0x1  }
0xb5: {  	[sflag:s29] =	ssyncadd.s32 $0xFFFFFFFF  }
0xb6: {  	_ =	strace $0x90000048  }
0xb7: {  	_ =	sfence  }
0xb8: {  	s30 =	sld [smem:$0x0];
	_ =	sdelay $0x2  }
0xb9: {  	s31 =	sshll.u32 s1, $0xD;
	s1 =	sshrl.u32 s1, $0x2  }
0xba: {  	s3 =	sand.u32 $0x4000, s31;
	s1 =	sadd.s32 s1, s30  }
0xbb: {  	s0 =	sor.u32 s3, s0;
	s1 =	sshll.u32 s1, $0x11  }
0xbc: {  	s0 =	sor.u32 s1, s0  }
0xbd: {  	s0 =	sadd.s32 $0x8F2B, s0  }
0xbe: {  	[sflag:s0] =	ssyncadd.remote.s32 $0x1  }
0xbf: {  	_ =	sfence.sel $0xFFFF  }
0xc0: {  	[dreg:$0x0] =	wrdreg $0xFFFFFFFF;
	(pc) =	sbr.abs _section_cstart, $3  }
0xc1: {  	[dreg:$0x1] =	wrdreg $0xFFFFFFFF  }
0xc2: {  	_ =	task.clear_ibuf [dreg:s7], $0x2FFFF;
	_ =	strace $0x9FFFFFFF  }
0xc3: {  	(tm) =	ssettm $0x7FFFFFFF  }
tec
execute0_lowered:
.L_overlay_start_1:
0x0: {  	(tag) =	ssettag $0x1  }
0x1: {  	s1 =	rddreg [dreg:$0x0]  }
0x2: {  	s10 =	rddreg [dreg:$0x1]  }
0x3: {  	s3 =	rddreg [dreg:$0x2]  }
0x4: {  	s0 =	rddreg [dreg:$0x3];
	s4 =	simm.s32 $0x0  }
0x5: {  	s2 =	stileid.u32;
	s7 =	srdreg.scid;
	s19 =	simm.s32 $0x50  }
0x6: {  	s20 =	simm.s32 $0x100;
	s21 =	simm.s32 $0x2900;
	s22 =	simm.s32 $0x1  }
0x7: {  	s23 =	simm.s32 $0x2;
	s29 =	simm.s32 $0x0;
	[smem:$0x7FF] =	sst s4  }
0x8: {  	s11 =	smul.u32 $0x13800, s2;
	s5 =	sadd.s32 $0x4F9E00, s10;
	s6 =	sadd.s32 $0x4F0000, s10  }
0x9: {  	s8 =	sand.u32 $0x1, s7;
	s7 =	sadd.s32 $0x4E6200, s10;
	s14 =	smul.u32 $0x4E000, s2  }
0xa: {  	s15 =	sadd.s32 $0x2B400, s10;
	s24 =	sshll.u32 s2, $0x1;
	s28 =	sshll.u32 s2, $0x6  }
0xb: {  	s18 =	sadd.s32 $0x138000, s3;
	p0 =	sne.s32 s2, $0xF;
	_ =	strace $0x80000047  }
0xc: {  	s12 =	ssub.s32 $0x2, s8;
	s26 =	smul.u32 $0x138800, s8;
	s9 =	sshrl.u32 s11, $0x3  }
0xd: {  	s13 =	sshrl.u32 s12, $0x1;
	s25 =	sshrl.u32 s14, $0x2;
	s9 =	sadd.s32 s9, s10  }
0xe: {  	s16 =	ssub.s32 s12, s13;
	s12 =	sor.u32 s8, s24;
	s17 =	sadd.s32 s25, s3  }
0xf: {  	s11 =	sadd.s32 s11, s26;
	s10 =	sadd.s32 $0x2B200, s10;
	s14 =	sshrl.u32 s26, $0x3  }
0x10: {  	s8 =	sadd.s32 $0x4200, s9;
	s9 =	sor.u32 $0x1C03, s28;
	s30 =	sshrl.u32 s11, $0x3  }
0x11: {  	s11 =	smul.u32 $0x2710, s12;
	s31 =	sadd.s32 s15, s14;
	s14 =	smax.u32 s16, $0x1  }
0x12: {  	s16 =	simm.s32 $0x3;
	s12 =	sadd.s32 s15, s30;
	s13 =	sadd.s32 $0x27000, s31  }
0x13: {  	s15 =	sshrl.u32 s17, $0x3;
	s17 =	sshrl.u32 @!p0 s18, $0x3;
	s18 =	simm.s32 $0x80  }
.LBB2_1:
0x14: {  	[spmem:s15], [sflag:s9] =	dma.local [hbm:s8], $0x2700  }
0x15: {  	_ =	swait.ge [sflag:s16], $0x2700  }
0x16: {  	[sflag:s16] =	ssyncset.done $0x0  }
0x17: {  	s24 =	simm.s32 @!p0 $0x3;
	[sflag:s16] =	ssyncadd.s32 $0xFFFFD900  }
0x18: {  	[spmem:s17], [sflag:s9] =	dma.local @!p0 [hbm:s10], $0x100  }
0x19: {  	_ =	swait.ge @!p0 [sflag:s24], $0x100  }
0x1a: {  	[sflag:s24] =	ssyncset.done @!p0 $0x0  }
0x1b: {  	[sflag:s24] =	ssyncadd.s32 @!p0 $0xFFFFFF00  }
0x1c: {  	s24 =	simm.s32 $0x0;
	[bflag:$0x0] =	sbarrier.arrive $0xFFFF  }
.LBB2_2:
0x1d: {  	s25 =	smul.u32 $0x50, s24;
	_ =	sdelay $0x1  }
0x1e: {  	s25 =	sadd.s32 s11, s25  }
0x1f: {  	s26 =	sshrl.u32 s25, $0x3  }
0x20: {  	s28 =	sadd.s32 s6, s26  }
0x21: {  	[tilespmem:s29], [sflag:$0x3] =	stream.linear.gather [hbm4b:s28+s29], $0x50, $0x38;
	[tilespmem:$0x18980] =	vst v63  }
0x22: {  	_ =	swait.ge [sflag:s16], $0x50  }
0x23: {  	[sflag:s16] =	ssyncset.done $0x0  }
0x24: {  	s26 =	sadd.s32 s7, s26;
	[sflag:s16] =	ssyncadd.s32 $0xFFFFFFB0  }
0x25: {  	[tilespmem:s18], [sflag:$0x3] =	stream.linear.gather [hbm4b:s26+s29], $0x50, $0x38;
	[tilespmem:$0x18980] =	vst v63  }
0x26: {  	_ =	swait.ge [sflag:s16], $0x50  }
0x27: {  	[sflag:s16] =	ssyncset.done $0x0  }
0x28: {  	s25 =	sshll.u32 s25, $0x4;
	[sflag:s16] =	ssyncadd.s32 $0xFFFFFFB0  }
0x29: {  	[tilespmem:s20], [sflag:$0x1] =	stream.indirect.gather [hbm4b:s1+s19], $0x80, s29, s19, $0xb8;
	[tilespmem:$0x18980] =	vst v63  }
0x2a: {  	s25 =	sadd.s32 s5, s25  }
0x2b: {  	[tilespmem:s21], [sflag:$0x2] =	stream.linear.gather [hbm4b:s25+s29], $0x2800, $0x38;
	[tilespmem:$0x18980] =	vst v63  }
0x2c: {  	_ =	swait.ge [sflag:s22], $0x2800  }
0x2d: {  	[sflag:s22] =	ssyncset.done $0x0  }
0x2e: {  	[sflag:s22] =	ssyncadd.s32 $0xFFFFD800  }
0x2f: {  	_ =	swait.ge [sflag:s23], $0x2800  }
0x30: {  	[sflag:s23] =	ssyncset.done $0x0  }
0x31: {  	s25 =	simm.s32 $0x0;
	[sflag:s23] =	ssyncadd.s32 $0xFFFFD800  }
0x32: {  	v6 =	vld [tilespmem:s25+$0x2900]  }
0x33: {  	v11 =	vld [tilespmem:s25+$0x2910]  }
0x34: {  	v5 =	vld [tilespmem:s25+$0x2920]  }
0x35: {  	v4 =	vld [tilespmem:s25+$0x2930]  }
0x36: {  	v3 =	vld [tilespmem:s25+$0x2940]  }
0x37: {  	v2 =	vld [tilespmem:s25+$0x2950]  }
0x38: {  	v1 =	vld [tilespmem:s25+$0x2960]  }
0x39: {  	v0 =	vld [tilespmem:s25+$0x2970]  }
0x3a: {  	v12 =	vld [tilespmem:s25+$0x100]  }
0x3b: {  	v13 =	vld [tilespmem:s25+$0x110]  }
0x3c: {  	v10 =	vld [tilespmem:s25+$0x120]  }
0x3d: {  	v9 =	vld [tilespmem:s25+$0x130]  }
0x3e: {  	v8 =	vld [tilespmem:s25+$0x140]  }
0x3f: {  	v7 =	vld [tilespmem:s25+$0x150];
	v12 =	vadd.f32 v6, v12  }
0x40: {  	s26 =	simm.s32 $0x200;
	v11 =	vadd.f32 v11, v13;
	v6 =	vld [tilespmem:s25+$0x160]  }
.LBB2_3:
0x41: {  	s28 =	sshra.s32 s26, $0x2;
	p1 =	sne.s32 s26, $0x9E00;
	v12 =	vmax.f32 v12, $0.0e+00;
	v5 =	vadd.f32 v5, v10;
	v10 =	vld [tilespmem:s25+$0x170]  }
0x42: {  	v13 =	vld [tilespmem:s28+$0x2900];
	[tilespmem:s25+$0x100] =	vst v12;
	v11 =	vmax.f32 v11, $0.0e+00;
	v4 =	vadd.f32 v4, v9  }
0x43: {  	v14 =	vld [tilespmem:s28+$0x2910];
	[tilespmem:s25+$0x110] =	vst v11;
	v9 =	vmax.f32 v5, $0.0e+00;
	v3 =	vadd.f32 v3, v8  }
0x44: {  	v5 =	vld [tilespmem:s28+$0x2920];
	[tilespmem:s25+$0x120] =	vst v9;
	v8 =	vmax.f32 v4, $0.0e+00;
	v2 =	vadd.f32 v2, v7  }
0x45: {  	v4 =	vld [tilespmem:s28+$0x2930];
	[tilespmem:s25+$0x130] =	vst v8;
	v7 =	vmax.f32 v3, $0.0e+00;
	v1 =	vadd.f32 v1, v6  }
0x46: {  	v3 =	vld [tilespmem:s28+$0x2940];
	[tilespmem:s25+$0x140] =	vst v7;
	v6 =	vmax.f32 v2, $0.0e+00;
	v0 =	vadd.f32 v0, v10  }
0x47: {  	v2 =	vld [tilespmem:s28+$0x2950];
	[tilespmem:s25+$0x150] =	vst v6;
	v6 =	vmax.f32 v1, $0.0e+00  }
0x48: {  	v1 =	vld [tilespmem:s28+$0x2960];
	[tilespmem:s25+$0x160] =	vst v6;
	v6 =	vmax.f32 v0, $0.0e+00  }
0x49: {  	v0 =	vld [tilespmem:s28+$0x2970];
	[tilespmem:s25+$0x170] =	vst v6;
	s25 =	smov.u32 s28  }
0x4a: {  	v6 =	vld [tilespmem:s25+$0x100]  }
0x4b: {  	v11 =	vld [tilespmem:s25+$0x110]  }
.Ltmp0:
0x4c: {  	v10 =	vld [tilespmem:s25+$0x120];
	(pc) =	sbr.rel @p1 .LBB2_3-.Ltmp0, $4  }
0x4d: {  	v9 =	vld [tilespmem:s25+$0x130]  }
0x4e: {  	v8 =	vld [tilespmem:s25+$0x140]  }
0x4f: {  	v12 =	vadd.f32 v13, v6;
	v7 =	vld [tilespmem:s25+$0x150]  }
0x50: {  	s26 =	sadd.s32 $0x200, s26;
	v11 =	vadd.f32 v14, v11;
	v6 =	vld [tilespmem:s25+$0x160]  }
0x51: {  	v12 =	vmax.f32 v12, $0.0e+00;
	v5 =	vadd.f32 v5, v10;
	v63 =	vld [tilespmem:s25+$0x170]  }
0x52: {  	[tilespmem:s25+$0x100] =	vst v12;
	v11 =	vmax.f32 v11, $0.0e+00;
	v4 =	vadd.f32 v4, v9  }
0x53: {  	[tilespmem:s25+$0x110] =	vst v11;
	v5 =	vmax.f32 v5, $0.0e+00;
	v3 =	vadd.f32 v3, v8  }
0x54: {  	[tilespmem:s25+$0x120] =	vst v5;
	v4 =	vmax.f32 v4, $0.0e+00;
	v2 =	vadd.f32 v2, v7  }
0x55: {  	[tilespmem:s25+$0x130] =	vst v4;
	v3 =	vmax.f32 v3, $0.0e+00;
	v1 =	vadd.f32 v1, v6  }
0x56: {  	[tilespmem:s25+$0x140] =	vst v3;
	v2 =	vmax.f32 v2, $0.0e+00;
	v0 =	vadd.f32 v0, v63  }
0x57: {  	s24 =	sadd.s32 $0x1, s24;
	[tilespmem:s25+$0x150] =	vst v2;
	v1 =	vmax.f32 v1, $0.0e+00  }
0x58: {  	p1 =	sne.s32 s24, $0x7D;
	[tilespmem:s25+$0x160] =	vst v1;
	v0 =	vmax.f32 v0, $0.0e+00  }
.Ltmp1:
0x59: {  	[tilespmem:s25+$0x170] =	vst v0;
	(pc) =	sbr.rel @p1 .LBB2_2-.Ltmp1, $4  }
0x5a: {  	[spmem:s3] =	stream.indirect.scatter.add.f32 [tilespmem:s20], [sflag:$0x3], $0x80, s18, s19, $0xb8;
	[tilespmem:$0x18980] =	vst v63  }
0x5b: {  	_ =	swait.ge [sflag:s16], $0x2800  }
0x5c: {  	[sflag:s16] =	ssyncset.done $0x0  }
0x5d: {  	[sflag:s16] =	ssyncadd.s32 $0xFFFFD800  }
0x5e: {  	[bflag:$0x0] =	sbarrier.arrive $0xFFFF  }
0x5f: {  	[hbm:s12], [sflag:s9] =	dma.local [spmem:s15], $0x2700  }
0x60: {  	s4 =	sadd.s32 $0x1, s4;
	_ =	swait.ge [sflag:s16], $0x2700  }
0x61: {  	p1 =	sne.s32 s4, s14;
	[sflag:s16] =	ssyncset.done $0x0  }
.Ltmp2:
0x62: {  	s24 =	simm.s32 @!p0 $0x3;
	[sflag:s16] =	ssyncadd.s32 $0xFFFFD900;
	(pc) =	sbr.rel @p1 .LBB2_1-.Ltmp2, $4  }
0x63: {  	[hbm:s13], [sflag:s9] =	dma.local @!p0 [spmem:s17], $0x100  }
0x64: {  	_ =	swait.ge @!p0 [sflag:s24], $0x100  }
0x65: {  	[sflag:s24] =	ssyncset.done @!p0 $0x0  }
0x66: {  	[sflag:s24] =	ssyncadd.s32 @!p0 $0xFFFFFF00  }
0x67: {  	_ =	sfence.sel $0x180000  }
0x68: {  	[bflag:$0x0] =	sbarrier.arrive $0xFFFF  }
0x69: {  	p0 =	sne.s32 s2, $0x0;
	_ =	strace $0x90000047  }
0x6a: {  	s0 =	sadd.s32 @!p0 $0x100000, s0;
	[bflag:$0x2] =	sbarrier.arrive $0xFFFF  }
0x6b: {  	[sflag:s0] =	ssyncadd.tile.s32 @!p0 $0x1;
	_ =	shalt  }
.Lfunc_end2:
_tile_overlayer_lowered:
.L_overlay_start_2:
0x6c: {  	(tag) =	ssettag $0x2  }
0x6d: {  	s0 =	rddreg [dreg:$0x0];
	s2 =	stileid.u32  }
0x6e: {  	s1 =	rddreg [dreg:$0x1];
	p0 =	sne.s32 s2, $0x0  }
0x6f: {  	s3 =	rddreg [dreg:$0x2];
	[bflag:$0x3] =	sbarrier.arrive $0xFFFF;
	s2 =	simm.s32 @!p0 $0x1C03  }
0x70: {  	[timem:s3], [sflag:s2] =	dma.local @!p0 [hbm:s0], s1  }
0x71: {  	s0 =	simm.s32 @!p0 $0x3  }
0x72: {  	_ =	swait.ge @!p0 [sflag:s0], s1  }
0x73: {  	s1 =	ssub.s32 @!p0 $0x0, s1;
	[sflag:s0] =	ssyncset.done @!p0 $0x0  }
0x74: {  	[sflag:s0] =	ssyncadd.s32 @!p0 s1  }
0x75: {  	[bflag:$0x3] =	sbarrier.arrive $0xFFFF  }
0x76: {  	_ =	shalt  }

// kernel: kernel.13.cloned.1.call-start
scs
__scs_entry_jumppad:
0x0: {  	(pc) =	sbr.rel $0x88, $3  }
0x1: {  	(tag) =	ssettag $0x0;
	lr =	simm.s32 $0x1  }
0x2: {  	[smem:$0x3F8F] =	sst lr;
	_ =	strace $0xD0000000  }
0x3: {  	_ = 	snop  }
0x4: {  	_ = 	snop  }
0x5: {  	_ = 	snop  }
0x6: {  	_ = 	snop  }
0x7: {  	_ = 	snop  }
__scs_overlays_trampoline_lowered:
0x8: {  	[smem:$0x3F9E] =	sst s0  }
0x9: {  	[smem:$0x3F9F] =	sst s1  }
0xa: {  	[smem:$0x3FA0] =	sst s2  }
0xb: {  	[smem:$0x3FA1] =	sst s3  }
0xc: {  	[smem:$0x3FA2] =	sst s4  }
0xd: {  	[smem:$0x3FA3] =	sst s5  }
0xe: {  	[smem:$0x3FA4] =	sst s6  }
0xf: {  	[smem:$0x3FA5] =	sst s7  }
0x10: {  	[smem:$0x3FA6] =	sst s8  }
0x11: {  	[smem:$0x3FA7] =	sst s9;
	s0 =	simm.s32 @!p0 $0x0  }
0x12: {  	s1 =	sld [smem:$0x3F8D];
	s0 =	simm.s32 @p0 $0x1  }
0x13: {  	[smem:$0x3FA8] =	sst s0;
	s0 =	simm.s32 @!p1 $0x0  }
0x14: {  	s2 =	sld [smem:$0x3F8C];
	s0 =	simm.s32 @p1 $0x1  }
0x15: {  	[smem:$0x3FA9] =	sst s0;
	s0 =	simm.s32 @!p2 $0x0  }
0x16: {  	s3 =	sld [smem:$0x3FDB];
	s0 =	simm.s32 @p2 $0x1  }
0x17: {  	s4 =	simm.s32 $0x1BF5;
	[smem:$0x3FAB] =	sst s0  }
0x18: {  	s0 =	sld [smem:$0x3F8E];
	_ =	swait.ge [sflag:s4], $0x0  }
0x19: {  	s7 =	sld [smem:$0x3F8F]  }
0x1a: {  	s8 =	sadd.s32 $0xFFFFE003, lr  }
0x1b: {  	s9 =	sadd.s32 $0xFFFFFEF7, lr;
	s5 =	simm.s32 $0xFFFFFFFF;
	p2 =	slt.u32 s8, $0xFFFFF086  }
0x1c: {  	p1 =	slt.u32 s9, $0xF7A;
	s5 =	simm.s32 @!p2 $0x0  }
0x1d: {  	s5 =	simm.s32 @p1 $0x1;
	p0 =	seq.s32 s7, s2  }
0x1e: {  	s7 =	smul.u32 @!p0 $0xF7A, s2;
	p2 =	seq.s32 @!p0 s5, $0x0  }
0x1f: {  	s9 =	smul.u32 $0xF7A, s1;
	s8 =	simm.s32 @!p0 $0x1BF5;
	p2 =	por !p2, p0  }
0x20: {  	[sflag:s8] =	ssyncset.s32 @!p0 $0xFFFFF086;
	s6 =	sadd.s32 @!p0 s3, s7;
	s7 =	simm.s32 @!p0 $0x108  }
0x21: {  	s3 =	sadd.s32 s3, s9;
	s6 =	sadd.s32 @!p0 $0x88, s6;
	s7 =	simm.s32 @p2 $0x1082  }
0x22: {  	[simem:s7], [sflag:s8] =	dma.local @!p0 [hbm:s6], $0xF7A  }
0x23: {  	s9 =	sor.u32 $0xD0000000, s2;
	s6 =	simm.s32 $0x108;
	_ =	swait.ge @!p0 [sflag:s8], $0x0  }
0x24: {  	s3 =	sadd.s32 $0x88, s3;
	s6 =	simm.s32 @!p1 $0x1082;
	[sflag:s4] =	ssyncset.s32 $0xFFFFF086  }
0x25: {  	[simem:s6], [sflag:s4] =	dma.local [hbm:s3], $0xF7A  }
0x26: {  	[smem:$0x3F8F] =	sst s1;
	(tag) =	ssettag s2;
	_ =	strace s9  }
0x27: {  	s1 =	sld [smem:$0x3F9F]  }
0x28: {  	s2 =	sld [smem:$0x3FA0]  }
0x29: {  	s4 =	sld [smem:$0x3FA2]  }
0x2a: {  	p0 =	seq.s32 s5, $0x0;
	s5 =	sld [smem:$0x3FA3]  }
0x2b: {  	s6 =	sld [smem:$0x3FA4]  }
0x2c: {  	s7 =	sld [smem:$0x3FA5]  }
0x2d: {  	s3 =	simm.s32 $0x108;
	s8 =	sld [smem:$0x3FA6]  }
0x2e: {  	s3 =	simm.s32 @!p0 $0x1082;
	s9 =	sld [smem:$0x3FA7]  }
0x2f: {  	lr =	sadd.s32 s0, s3;
	s0 =	sld [smem:$0x3F9E]  }
0x30: {  	s3 =	sld [smem:$0x3FA1]  }
0x31: {  	[smem:$0x3FAA] =	sst s10  }
0x32: {  	s10 =	sld [smem:$0x3FA8];
	_ =	sdelay $0x3  }
0x33: {  	p0 =	seq.s32 s10, $0x1;
	s10 =	sld [smem:$0x3FAA];
	_ =	sdelay $0x3  }
0x34: {  	[smem:$0x3FAA] =	sst s10  }
0x35: {  	s10 =	sld [smem:$0x3FA9];
	_ =	sdelay $0x3  }
0x36: {  	p1 =	seq.s32 s10, $0x1;
	s10 =	sld [smem:$0x3FAA];
	_ =	sdelay $0x3  }
0x37: {  	[smem:$0x3FAA] =	sst s10  }
0x38: {  	s10 =	sld [smem:$0x3FAB]  }
0x39: {  	_ = 	snop;
	(pc) =	sbr.ind lr, $3  }
0x3a: {  	_ = 	snop  }
0x3b: {  	_ = 	snop  }
0x3c: {  	p2 =	seq.s32 s10, $0x1;
	s10 =	sld [smem:$0x3FAA]  }
0x3d: {  	_ =	shalt  }
0x3e: {  	_ =	shalt  }
0x3f: {  	_ =	shalt  }
0x40: {  	_ =	shalt  }
0x41: {  	_ =	shalt  }
0x42: {  	_ =	shalt  }
0x43: {  	_ =	shalt  }
0x44: {  	_ =	shalt  }
0x45: {  	_ =	shalt  }
0x46: {  	_ =	shalt  }
0x47: {  	_ =	shalt  }
0x48: {  	_ =	shalt  }
0x49: {  	_ =	shalt  }
0x4a: {  	_ =	shalt  }
0x4b: {  	_ =	shalt  }
0x4c: {  	_ =	shalt  }
0x4d: {  	_ =	shalt  }
0x4e: {  	_ =	shalt  }
0x4f: {  	_ =	shalt  }
0x50: {  	_ =	shalt  }
0x51: {  	_ =	shalt  }
0x52: {  	_ =	shalt  }
0x53: {  	_ =	shalt  }
0x54: {  	_ =	shalt  }
0x55: {  	_ =	shalt  }
0x56: {  	_ =	shalt  }
0x57: {  	_ =	shalt  }
0x58: {  	_ =	shalt  }
0x59: {  	_ =	shalt  }
0x5a: {  	_ =	shalt  }
0x5b: {  	_ =	shalt  }
0x5c: {  	_ =	shalt  }
0x5d: {  	_ =	shalt  }
0x5e: {  	_ =	shalt  }
0x5f: {  	_ =	shalt  }
0x60: {  	_ =	shalt  }
0x61: {  	_ =	shalt  }
0x62: {  	_ =	shalt  }
0x63: {  	_ =	shalt  }
0x64: {  	_ =	shalt  }
0x65: {  	_ =	shalt  }
0x66: {  	_ =	shalt  }
0x67: {  	_ =	shalt  }
0x68: {  	_ =	shalt  }
0x69: {  	_ =	shalt  }
0x6a: {  	_ =	shalt  }
0x6b: {  	_ =	shalt  }
0x6c: {  	_ =	shalt  }
0x6d: {  	_ =	shalt  }
0x6e: {  	_ =	shalt  }
0x6f: {  	_ =	shalt  }
0x70: {  	_ =	shalt  }
0x71: {  	_ =	shalt  }
0x72: {  	_ =	shalt  }
0x73: {  	_ =	shalt  }
0x74: {  	_ =	shalt  }
0x75: {  	_ =	shalt  }
0x76: {  	_ =	shalt  }
0x77: {  	_ =	shalt  }
0x78: {  	_ =	shalt  }
0x79: {  	_ =	shalt  }
0x7a: {  	_ =	shalt  }
0x7b: {  	_ =	shalt  }
0x7c: {  	_ =	shalt  }
0x7d: {  	_ =	shalt  }
0x7e: {  	_ =	shalt  }
0x7f: {  	_ =	shalt  }
0x80: {  	_ =	shalt  }
0x81: {  	_ =	shalt  }
0x82: {  	_ =	shalt  }
0x83: {  	_ =	shalt  }
0x84: {  	_ =	shalt  }
0x85: {  	_ =	shalt  }
0x86: {  	_ =	shalt  }
0x87: {  	_ =	shalt  }
.Lfunc_end0:
.L_simem_size_0:
called_computation.1_lowered:
.L_overlay_start_0:
0x88: {  	s2 =	sld [smem:$0x3FD9]  }
0x89: {  	s3 =	sld [smem:$0x3FFE];
	_ =	sdelay $0x1  }
0x8a: {  	s1 =	srdreg.scid  }
0x8b: {  	s0 =	sand.u32 $0x1, s1  }
0x8c: {  	s16 =	sshll.u32 s0, $0xA;
	s2 =	sadd.s32 s3, s2  }
0x8d: {  	s2 =	sadd.s32 s2, s16  }
0x8e: {  	[smem:$0x3FB6] =	sst s2  }
0x8f: {  	_ = 	snop  }
0x90: {  	(tm) =	ssettm $0x1  }
0x91: {  	s17 =	sld [smem:$0x3FFB];
	_ =	sdelay $0x3  }
0x92: {  	_ =	strace s17  }
0x93: {  	s2 =	sld [smem:$0x3FFC];
	_ =	sdelay $0x3  }
0x94: {  	_ =	strace s2  }
0x95: {  	s2 =	sld [smem:$0x3FFD];
	_ =	sdelay $0x3  }
0x96: {  	_ =	strace s2  }
0x97: {  	_ =	strace $0x8FFFFFFF  }
0x98: {  	s18 =	sld [smem:$0x3FDB];
	_ =	sdelay $0x1  }
0x99: {  	s19 =	simm.s32 $_scs_section_size  }
0x9a: {  	s4 =	simm.s32 $_size__tile_overlayer_lowered;
	s5 =	simm.s32 $_tile_overlayer_lowered  }
0x9b: {  	s22 =	simm.s32 $0x1BFF;
	s21 =	sshll.u32 s5, $0x1;
	s2 =	sadd.s32 s19, s18  }
0x9c: {  	s6 =	simm.s32 $0x0;
	s20 =	sshll.u32 s4, $0x1;
	s4 =	sadd.s32 s21, s2  }
0x9d: {  	[timem:s6], [sflag:s22] =	dma.local [hbm:s4], s20  }
0x9e: {  	_ =	swait.ge [sflag:s22], s20  }
0x9f: {  	s3 =	ssub.s32 $0x0, s20;
	[sflag:s22] =	ssyncset.done $0x0  }
0xa0: {  	[sflag:s22] =	ssyncadd.s32 s3;
	_ =	sdelay $0x1  }
0xa1: {  	s23 =	simm.s32 $0x1B8B  }
0xa2: {  	_ =	swait.ge [sflag:s23], $0x1  }
0xa3: {  	[sflag:s23] =	ssyncset.done $0x0  }
0xa4: {  	s25 =	simm.s32 $0x1B8E;
	s24 =	sld [smem:$0x3FFE];
	[sflag:s23] =	ssyncadd.s32 $0xFFFFFFFF  }
0xa5: {  	s26 =	simm.s32 $execute0_lowered;
	[smem:$0x3FD2] =	sst s25  }
0xa6: {  	s4 =	sshll.u32 s26, $0x1;
	_ =	strace $0x80000049;
	[dreg:$0x1] =	wrdreg $0xFFFFFFFF  }
0xa7: {  	s28 =	simm.s32 $_size_execute0_lowered;
	s2 =	sadd.s32 s2, s4;
	[dreg:$0x0] =	wrdreg $0x0  }
0xa8: {  	s4 =	sshll.u32 s28, $0x1;
	[dreg:$0x2] =	wrdreg s2  }
0xa9: {  	[dreg:$0x3] =	wrdreg s4  }
0xaa: {  	[dreg:$0x4] =	wrdreg $0xC0  }
0xab: {  	_ =	task [dreg:s6], $0x5FFFF  }
0xac: {  	[dreg:$0x1] =	wrdreg $0xFFFFFFFF  }
0xad: {  	[dreg:$0x0] =	wrdreg $0x60  }
0xae: {  	[dreg:$0x2] =	wrdreg s24  }
0xaf: {  	[dreg:$0x3] =	wrdreg $0x51000  }
0xb0: {  	[dreg:$0x4] =	wrdreg $0x9  }
0xb1: {  	_ =	task.clear_ibuf [dreg:s6], $0x5FFFF;
	_ =	strace $0x90000049  }
0xb2: {  	s29 =	simm.s32 $0x9;
	_ =	strace $0x8000004B  }
0xb3: {  	_ =	swait.ge [sflag:s29], $0x1  }
0xb4: {  	[sflag:s29] =	ssyncadd.s32 $0xFFFFFFFF  }
0xb5: {  	_ =	strace $0x9000004B  }
0xb6: {  	_ =	sfence  }
0xb7: {  	s30 =	sld [smem:$0x0];
	_ =	sdelay $0x2  }
0xb8: {  	s31 =	sshll.u32 s1, $0xD;
	s1 =	sshrl.u32 s1, $0x2  }
0xb9: {  	s3 =	sand.u32 $0x4000, s31;
	s1 =	sadd.s32 s1, s30  }
0xba: {  	s0 =	sor.u32 s3, s0;
	s1 =	sshll.u32 s1, $0x11  }
0xbb: {  	s0 =	sor.u32 s1, s0  }
0xbc: {  	s0 =	sadd.s32 $0x8F2B, s0  }
0xbd: {  	[sflag:s0] =	ssyncadd.remote.s32 $0x1  }
0xbe: {  	_ =	sfence.sel $0xFFFF  }
0xbf: {  	[dreg:$0x0] =	wrdreg $0xFFFFFFFF;
	(pc) =	sbr.abs _section_cstart, $3  }
0xc0: {  	[dreg:$0x1] =	wrdreg $0xFFFFFFFF  }
0xc1: {  	_ =	task.clear_ibuf [dreg:s6], $0x2FFFF;
	_ =	strace $0x9FFFFFFF  }
0xc2: {  	(tm) =	ssettm $0x7FFFFFFF  }
0xc3: {  	_ =	shalt  }
tec
execute0_lowered:
.L_overlay_start_1:
0x0: {  	(tag) =	ssettag $0x1  }
0x1: {  	s10 =	rddreg [dreg:$0x0]  }
0x2: {  	s1 =	rddreg [dreg:$0x1]  }
0x3: {  	s0 =	rddreg [dreg:$0x2];
	s3 =	simm.s32 $0x0;
	s2 =	stileid.u32  }
0x4: {  	s7 =	srdreg.scid;
	s19 =	simm.s32 $0x50;
	s20 =	simm.s32 $0x100  }
0x5: {  	s21 =	simm.s32 $0x2900;
	s22 =	simm.s32 $0x1;
	s23 =	simm.s32 $0x2  }
0x6: {  	s29 =	simm.s32 $0x0;
	[smem:$0x7FF] =	sst s3;
	s4 =	sadd.s32 $0x2B400, s10  }
0x7: {  	s11 =	smul.u32 $0x13800, s2;
	s5 =	sadd.s32 $0x9DBE00, s10;
	s6 =	sadd.s32 $0x4F0000, s10  }
0x8: {  	s8 =	sand.u32 $0x1, s7;
	s7 =	sadd.s32 $0x4E6200, s10;
	s14 =	smul.u32 $0x4E000, s2  }
0x9: {  	s15 =	sadd.s32 $0x52600, s10;
	s24 =	sshll.u32 s2, $0x1;
	s28 =	sshll.u32 s2, $0x6  }
0xa: {  	s18 =	sadd.s32 $0x138000, s1;
	p0 =	sne.s32 s2, $0xF;
	_ =	strace $0x8000004A  }
0xb: {  	s12 =	ssub.s32 $0x2, s8;
	s26 =	smul.u32 $0x138800, s8;
	s9 =	sshrl.u32 s11, $0x3  }
0xc: {  	s13 =	sshrl.u32 s12, $0x1;
	s25 =	sshrl.u32 s14, $0x2;
	s9 =	sadd.s32 s9, s10  }
0xd: {  	s16 =	ssub.s32 s12, s13;
	s12 =	sor.u32 s8, s24;
	s17 =	sadd.s32 s25, s1  }
0xe: {  	s11 =	sadd.s32 s11, s26;
	s10 =	sadd.s32 $0x2B200, s10;
	s14 =	sshrl.u32 s26, $0x3  }
0xf: {  	s8 =	sadd.s32 $0x4200, s9;
	s9 =	sor.u32 $0x1C03, s28;
	s30 =	sshrl.u32 s11, $0x3  }
0x10: {  	s11 =	smul.u32 $0x2710, s12;
	s31 =	sadd.s32 s15, s14;
	s14 =	smax.u32 s16, $0x1  }
0x11: {  	s16 =	simm.s32 $0x3;
	s12 =	sadd.s32 s15, s30;
	s13 =	sadd.s32 $0x27000, s31  }
0x12: {  	s15 =	sshrl.u32 s17, $0x3;
	s17 =	sshrl.u32 @!p0 s18, $0x3;
	s18 =	simm.s32 $0x80  }
.LBB2_1:
0x13: {  	[spmem:s15], [sflag:s9] =	dma.local [hbm:s8], $0x2700  }
0x14: {  	_ =	swait.ge [sflag:s16], $0x2700  }
0x15: {  	[sflag:s16] =	ssyncset.done $0x0  }
0x16: {  	s24 =	simm.s32 @!p0 $0x3;
	[sflag:s16] =	ssyncadd.s32 $0xFFFFD900  }
0x17: {  	[spmem:s17], [sflag:s9] =	dma.local @!p0 [hbm:s10], $0x100  }
0x18: {  	_ =	swait.ge @!p0 [sflag:s24], $0x100  }
0x19: {  	[sflag:s24] =	ssyncset.done @!p0 $0x0  }
0x1a: {  	[sflag:s24] =	ssyncadd.s32 @!p0 $0xFFFFFF00  }
0x1b: {  	s24 =	simm.s32 $0x0;
	[bflag:$0x0] =	sbarrier.arrive $0xFFFF  }
.LBB2_2:
0x1c: {  	s25 =	smul.u32 $0x50, s24;
	_ =	sdelay $0x1  }
0x1d: {  	s25 =	sadd.s32 s11, s25  }
0x1e: {  	s26 =	sshrl.u32 s25, $0x3  }
0x1f: {  	s28 =	sadd.s32 s6, s26  }
0x20: {  	[tilespmem:s29], [sflag:$0x3] =	stream.linear.gather [hbm4b:s28+s29], $0x50, $0x38;
	[tilespmem:$0x18980] =	vst v63  }
0x21: {  	_ =	swait.ge [sflag:s16], $0x50  }
0x22: {  	[sflag:s16] =	ssyncset.done $0x0  }
0x23: {  	s26 =	sadd.s32 s7, s26;
	[sflag:s16] =	ssyncadd.s32 $0xFFFFFFB0  }
0x24: {  	[tilespmem:s18], [sflag:$0x3] =	stream.linear.gather [hbm4b:s26+s29], $0x50, $0x38;
	[tilespmem:$0x18980] =	vst v63  }
0x25: {  	_ =	swait.ge [sflag:s16], $0x50  }
0x26: {  	[sflag:s16] =	ssyncset.done $0x0  }
0x27: {  	s25 =	sshll.u32 s25, $0x4;
	[sflag:s16] =	ssyncadd.s32 $0xFFFFFFB0  }
0x28: {  	[tilespmem:s20], [sflag:$0x1] =	stream.indirect.gather [hbm4b:s4+s19], $0x80, s29, s19, $0xb8;
	[tilespmem:$0x18980] =	vst v63  }
0x29: {  	s25 =	sadd.s32 s5, s25  }
0x2a: {  	[tilespmem:s21], [sflag:$0x2] =	stream.linear.gather [hbm4b:s25+s29], $0x2800, $0x38;
	[tilespmem:$0x18980] =	vst v63  }
0x2b: {  	_ =	swait.ge [sflag:s22], $0x2800  }
0x2c: {  	[sflag:s22] =	ssyncset.done $0x0  }
0x2d: {  	[sflag:s22] =	ssyncadd.s32 $0xFFFFD800  }
0x2e: {  	_ =	swait.ge [sflag:s23], $0x2800  }
0x2f: {  	[sflag:s23] =	ssyncset.done $0x0  }
0x30: {  	s25 =	simm.s32 $0x0;
	[sflag:s23] =	ssyncadd.s32 $0xFFFFD800  }
0x31: {  	v6 =	vld [tilespmem:s25+$0x2900]  }
0x32: {  	v11 =	vld [tilespmem:s25+$0x2910]  }
0x33: {  	v5 =	vld [tilespmem:s25+$0x2920]  }
0x34: {  	v4 =	vld [tilespmem:s25+$0x2930]  }
0x35: {  	v3 =	vld [tilespmem:s25+$0x2940]  }
0x36: {  	v2 =	vld [tilespmem:s25+$0x2950]  }
0x37: {  	v1 =	vld [tilespmem:s25+$0x2960]  }
0x38: {  	v0 =	vld [tilespmem:s25+$0x2970]  }
0x39: {  	v12 =	vld [tilespmem:s25+$0x100]  }
0x3a: {  	v13 =	vld [tilespmem:s25+$0x110]  }
0x3b: {  	v10 =	vld [tilespmem:s25+$0x120]  }
0x3c: {  	v9 =	vld [tilespmem:s25+$0x130]  }
0x3d: {  	v8 =	vld [tilespmem:s25+$0x140]  }
0x3e: {  	v7 =	vld [tilespmem:s25+$0x150];
	v12 =	vadd.f32 v6, v12  }
0x3f: {  	s26 =	simm.s32 $0x200;
	v11 =	vadd.f32 v11, v13;
	v6 =	vld [tilespmem:s25+$0x160]  }
.LBB2_3:
0x40: {  	s28 =	sshra.s32 s26, $0x2;
	p1 =	sne.s32 s26, $0x9E00;
	v12 =	vmax.f32 v12, $0.0e+00;
	v5 =	vadd.f32 v5, v10;
	v10 =	vld [tilespmem:s25+$0x170]  }
0x41: {  	v13 =	vld [tilespmem:s28+$0x2900];
	[tilespmem:s25+$0x100] =	vst v12;
	v11 =	vmax.f32 v11, $0.0e+00;
	v4 =	vadd.f32 v4, v9  }
0x42: {  	v14 =	vld [tilespmem:s28+$0x2910];
	[tilespmem:s25+$0x110] =	vst v11;
	v9 =	vmax.f32 v5, $0.0e+00;
	v3 =	vadd.f32 v3, v8  }
0x43: {  	v5 =	vld [tilespmem:s28+$0x2920];
	[tilespmem:s25+$0x120] =	vst v9;
	v8 =	vmax.f32 v4, $0.0e+00;
	v2 =	vadd.f32 v2, v7  }
0x44: {  	v4 =	vld [tilespmem:s28+$0x2930];
	[tilespmem:s25+$0x130] =	vst v8;
	v7 =	vmax.f32 v3, $0.0e+00;
	v1 =	vadd.f32 v1, v6  }
0x45: {  	v3 =	vld [tilespmem:s28+$0x2940];
	[tilespmem:s25+$0x140] =	vst v7;
	v6 =	vmax.f32 v2, $0.0e+00;
	v0 =	vadd.f32 v0, v10  }
0x46: {  	v2 =	vld [tilespmem:s28+$0x2950];
	[tilespmem:s25+$0x150] =	vst v6;
	v6 =	vmax.f32 v1, $0.0e+00  }
0x47: {  	v1 =	vld [tilespmem:s28+$0x2960];
	[tilespmem:s25+$0x160] =	vst v6;
	v6 =	vmax.f32 v0, $0.0e+00  }
0x48: {  	v0 =	vld [tilespmem:s28+$0x2970];
	[tilespmem:s25+$0x170] =	vst v6;
	s25 =	smov.u32 s28  }
0x49: {  	v6 =	vld [tilespmem:s25+$0x100]  }
0x4a: {  	v11 =	vld [tilespmem:s25+$0x110]  }
.Ltmp0:
0x4b: {  	v10 =	vld [tilespmem:s25+$0x120];
	(pc) =	sbr.rel @p1 .LBB2_3-.Ltmp0, $4  }
0x4c: {  	v9 =	vld [tilespmem:s25+$0x130]  }
0x4d: {  	v8 =	vld [tilespmem:s25+$0x140]  }
0x4e: {  	v12 =	vadd.f32 v13, v6;
	v7 =	vld [tilespmem:s25+$0x150]  }
0x4f: {  	s26 =	sadd.s32 $0x200, s26;
	v11 =	vadd.f32 v14, v11;
	v6 =	vld [tilespmem:s25+$0x160]  }
0x50: {  	v12 =	vmax.f32 v12, $0.0e+00;
	v5 =	vadd.f32 v5, v10;
	v63 =	vld [tilespmem:s25+$0x170]  }
0x51: {  	[tilespmem:s25+$0x100] =	vst v12;
	v11 =	vmax.f32 v11, $0.0e+00;
	v4 =	vadd.f32 v4, v9  }
0x52: {  	[tilespmem:s25+$0x110] =	vst v11;
	v5 =	vmax.f32 v5, $0.0e+00;
	v3 =	vadd.f32 v3, v8  }
0x53: {  	[tilespmem:s25+$0x120] =	vst v5;
	v4 =	vmax.f32 v4, $0.0e+00;
	v2 =	vadd.f32 v2, v7  }
0x54: {  	[tilespmem:s25+$0x130] =	vst v4;
	v3 =	vmax.f32 v3, $0.0e+00;
	v1 =	vadd.f32 v1, v6  }
0x55: {  	[tilespmem:s25+$0x140] =	vst v3;
	v2 =	vmax.f32 v2, $0.0e+00;
	v0 =	vadd.f32 v0, v63  }
0x56: {  	s24 =	sadd.s32 $0x1, s24;
	[tilespmem:s25+$0x150] =	vst v2;
	v1 =	vmax.f32 v1, $0.0e+00  }
0x57: {  	p1 =	sne.s32 s24, $0x7D;
	[tilespmem:s25+$0x160] =	vst v1;
	v0 =	vmax.f32 v0, $0.0e+00  }
.Ltmp1:
0x58: {  	[tilespmem:s25+$0x170] =	vst v0;
	(pc) =	sbr.rel @p1 .LBB2_2-.Ltmp1, $4  }
0x59: {  	[spmem:s1] =	stream.indirect.scatter.add.f32 [tilespmem:s20], [sflag:$0x3], $0x80, s18, s19, $0xb8;
	[tilespmem:$0x18980] =	vst v63  }
0x5a: {  	_ =	swait.ge [sflag:s16], $0x2800  }
0x5b: {  	[sflag:s16] =	ssyncset.done $0x0  }
0x5c: {  	[sflag:s16] =	ssyncadd.s32 $0xFFFFD800  }
0x5d: {  	[bflag:$0x0] =	sbarrier.arrive $0xFFFF  }
0x5e: {  	[hbm:s12], [sflag:s9] =	dma.local [spmem:s15], $0x2700  }
0x5f: {  	s3 =	sadd.s32 $0x1, s3;
	_ =	swait.ge [sflag:s16], $0x2700  }
0x60: {  	p1 =	sne.s32 s3, s14;
	[sflag:s16] =	ssyncset.done $0x0  }
.Ltmp2:
0x61: {  	s24 =	simm.s32 @!p0 $0x3;
	[sflag:s16] =	ssyncadd.s32 $0xFFFFD900;
	(pc) =	sbr.rel @p1 .LBB2_1-.Ltmp2, $4  }
0x62: {  	[hbm:s13], [sflag:s9] =	dma.local @!p0 [spmem:s17], $0x100  }
0x63: {  	_ =	swait.ge @!p0 [sflag:s24], $0x100  }
0x64: {  	[sflag:s24] =	ssyncset.done @!p0 $0x0  }
0x65: {  	[sflag:s24] =	ssyncadd.s32 @!p0 $0xFFFFFF00  }
0x66: {  	_ =	sfence.sel $0x180000  }
0x67: {  	[bflag:$0x0] =	sbarrier.arrive $0xFFFF  }
0x68: {  	p0 =	sne.s32 s2, $0x0;
	_ =	strace $0x9000004A  }
0x69: {  	s0 =	sadd.s32 @!p0 $0x100000, s0;
	[bflag:$0x2] =	sbarrier.arrive $0xFFFF  }
0x6a: {  	[sflag:s0] =	ssyncadd.tile.s32 @!p0 $0x1;
	_ =	shalt  }
.Lfunc_end2:
_tile_overlayer_lowered:
.L_overlay_start_2:
0x6b: {  	(tag) =	ssettag $0x2  }
0x6c: {  	s0 =	rddreg [dreg:$0x0];
	s2 =	stileid.u32  }
0x6d: {  	s1 =	rddreg [dreg:$0x1];
	p0 =	sne.s32 s2, $0x0  }
0x6e: {  	s3 =	rddreg [dreg:$0x2];
	[bflag:$0x3] =	sbarrier.arrive $0xFFFF;
	s2 =	simm.s32 @!p0 $0x1C03  }
0x6f: {  	[timem:s3], [sflag:s2] =	dma.local @!p0 [hbm:s0], s1  }
0x70: {  	s0 =	simm.s32 @!p0 $0x3  }
0x71: {  	_ =	swait.ge @!p0 [sflag:s0], s1  }
0x72: {  	s1 =	ssub.s32 @!p0 $0x0, s1;
	[sflag:s0] =	ssyncset.done @!p0 $0x0  }
0x73: {  	[sflag:s0] =	ssyncadd.s32 @!p0 s1  }
0x74: {  	[bflag:$0x3] =	sbarrier.arrive $0xFFFF  }
0x75: {  	_ =	shalt  }

// kernel: kernel.16.cloned.1.call-start
scs
__scs_entry_jumppad:
0x0: {  	(pc) =	sbr.rel $0x88, $3  }
0x1: {  	(tag) =	ssettag $0x0;
	lr =	simm.s32 $0x1  }
0x2: {  	[smem:$0x3F8F] =	sst lr;
	_ =	strace $0xD0000000  }
0x3: {  	_ = 	snop  }
0x4: {  	_ = 	snop  }
0x5: {  	_ = 	snop  }
0x6: {  	_ = 	snop  }
0x7: {  	_ = 	snop  }
__scs_overlays_trampoline_lowered:
0x8: {  	[smem:$0x3F9E] =	sst s0  }
0x9: {  	[smem:$0x3F9F] =	sst s1  }
0xa: {  	[smem:$0x3FA0] =	sst s2  }
0xb: {  	[smem:$0x3FA1] =	sst s3  }
0xc: {  	[smem:$0x3FA2] =	sst s4  }
0xd: {  	[smem:$0x3FA3] =	sst s5  }
0xe: {  	[smem:$0x3FA4] =	sst s6  }
0xf: {  	[smem:$0x3FA5] =	sst s7  }
0x10: {  	[smem:$0x3FA6] =	sst s8  }
0x11: {  	[smem:$0x3FA7] =	sst s9;
	s0 =	simm.s32 @!p0 $0x0  }
0x12: {  	s1 =	sld [smem:$0x3F8D];
	s0 =	simm.s32 @p0 $0x1  }
0x13: {  	[smem:$0x3FA8] =	sst s0;
	s0 =	simm.s32 @!p1 $0x0  }
0x14: {  	s2 =	sld [smem:$0x3F8C];
	s0 =	simm.s32 @p1 $0x1  }
0x15: {  	[smem:$0x3FA9] =	sst s0;
	s0 =	simm.s32 @!p2 $0x0  }
0x16: {  	s3 =	sld [smem:$0x3FDB];
	s0 =	simm.s32 @p2 $0x1  }
0x17: {  	s4 =	simm.s32 $0x1BF5;
	[smem:$0x3FAB] =	sst s0  }
0x18: {  	s0 =	sld [smem:$0x3F8E];
	_ =	swait.ge [sflag:s4], $0x0  }
0x19: {  	s7 =	sld [smem:$0x3F8F]  }
0x1a: {  	s8 =	sadd.s32 $0xFFFFE003, lr  }
0x1b: {  	s9 =	sadd.s32 $0xFFFFFEF7, lr;
	s5 =	simm.s32 $0xFFFFFFFF;
	p2 =	slt.u32 s8, $0xFFFFF086  }
0x1c: {  	p1 =	slt.u32 s9, $0xF7A;
	s5 =	simm.s32 @!p2 $0x0  }
0x1d: {  	s5 =	simm.s32 @p1 $0x1;
	p0 =	seq.s32 s7, s2  }
0x1e: {  	s7 =	smul.u32 @!p0 $0xF7A, s2;
	p2 =	seq.s32 @!p0 s5, $0x0  }
0x1f: {  	s9 =	smul.u32 $0xF7A, s1;
	s8 =	simm.s32 @!p0 $0x1BF5;
	p2 =	por !p2, p0  }
0x20: {  	[sflag:s8] =	ssyncset.s32 @!p0 $0xFFFFF086;
	s6 =	sadd.s32 @!p0 s3, s7;
	s7 =	simm.s32 @!p0 $0x108  }
0x21: {  	s3 =	sadd.s32 s3, s9;
	s6 =	sadd.s32 @!p0 $0x88, s6;
	s7 =	simm.s32 @p2 $0x1082  }
0x22: {  	[simem:s7], [sflag:s8] =	dma.local @!p0 [hbm:s6], $0xF7A  }
0x23: {  	s9 =	sor.u32 $0xD0000000, s2;
	s6 =	simm.s32 $0x108;
	_ =	swait.ge @!p0 [sflag:s8], $0x0  }
0x24: {  	s3 =	sadd.s32 $0x88, s3;
	s6 =	simm.s32 @!p1 $0x1082;
	[sflag:s4] =	ssyncset.s32 $0xFFFFF086  }
0x25: {  	[simem:s6], [sflag:s4] =	dma.local [hbm:s3], $0xF7A  }
0x26: {  	[smem:$0x3F8F] =	sst s1;
	(tag) =	ssettag s2;
	_ =	strace s9  }
0x27: {  	s1 =	sld [smem:$0x3F9F]  }
0x28: {  	s2 =	sld [smem:$0x3FA0]  }
0x29: {  	s4 =	sld [smem:$0x3FA2]  }
0x2a: {  	p0 =	seq.s32 s5, $0x0;
	s5 =	sld [smem:$0x3FA3]  }
0x2b: {  	s6 =	sld [smem:$0x3FA4]  }
0x2c: {  	s7 =	sld [smem:$0x3FA5]  }
0x2d: {  	s3 =	simm.s32 $0x108;
	s8 =	sld [smem:$0x3FA6]  }
0x2e: {  	s3 =	simm.s32 @!p0 $0x1082;
	s9 =	sld [smem:$0x3FA7]  }
0x2f: {  	lr =	sadd.s32 s0, s3;
	s0 =	sld [smem:$0x3F9E]  }
0x30: {  	s3 =	sld [smem:$0x3FA1]  }
0x31: {  	[smem:$0x3FAA] =	sst s10  }
0x32: {  	s10 =	sld [smem:$0x3FA8];
	_ =	sdelay $0x3  }
0x33: {  	p0 =	seq.s32 s10, $0x1;
	s10 =	sld [smem:$0x3FAA];
	_ =	sdelay $0x3  }
0x34: {  	[smem:$0x3FAA] =	sst s10  }
0x35: {  	s10 =	sld [smem:$0x3FA9];
	_ =	sdelay $0x3  }
0x36: {  	p1 =	seq.s32 s10, $0x1;
	s10 =	sld [smem:$0x3FAA];
	_ =	sdelay $0x3  }
0x37: {  	[smem:$0x3FAA] =	sst s10  }
0x38: {  	s10 =	sld [smem:$0x3FAB]  }
0x39: {  	_ = 	snop;
	(pc) =	sbr.ind lr, $3  }
0x3a: {  	_ = 	snop  }
0x3b: {  	_ = 	snop  }
0x3c: {  	p2 =	seq.s32 s10, $0x1;
	s10 =	sld [smem:$0x3FAA]  }
0x3d: {  	_ =	shalt  }
0x3e: {  	_ =	shalt  }
0x3f: {  	_ =	shalt  }
0x40: {  	_ =	shalt  }
0x41: {  	_ =	shalt  }
0x42: {  	_ =	shalt  }
0x43: {  	_ =	shalt  }
0x44: {  	_ =	shalt  }
0x45: {  	_ =	shalt  }
0x46: {  	_ =	shalt  }
0x47: {  	_ =	shalt  }
0x48: {  	_ =	shalt  }
0x49: {  	_ =	shalt  }
0x4a: {  	_ =	shalt  }
0x4b: {  	_ =	shalt  }
0x4c: {  	_ =	shalt  }
0x4d: {  	_ =	shalt  }
0x4e: {  	_ =	shalt  }
0x4f: {  	_ =	shalt  }
0x50: {  	_ =	shalt  }
0x51: {  	_ =	shalt  }
0x52: {  	_ =	shalt  }
0x53: {  	_ =	shalt  }
0x54: {  	_ =	shalt  }
0x55: {  	_ =	shalt  }
0x56: {  	_ =	shalt  }
0x57: {  	_ =	shalt  }
0x58: {  	_ =	shalt  }
0x59: {  	_ =	shalt  }
0x5a: {  	_ =	shalt  }
0x5b: {  	_ =	shalt  }
0x5c: {  	_ =	shalt  }
0x5d: {  	_ =	shalt  }
0x5e: {  	_ =	shalt  }
0x5f: {  	_ =	shalt  }
0x60: {  	_ =	shalt  }
0x61: {  	_ =	shalt  }
0x62: {  	_ =	shalt  }
0x63: {  	_ =	shalt  }
0x64: {  	_ =	shalt  }
0x65: {  	_ =	shalt  }
0x66: {  	_ =	shalt  }
0x67: {  	_ =	shalt  }
0x68: {  	_ =	shalt  }
0x69: {  	_ =	shalt  }
0x6a: {  	_ =	shalt  }
0x6b: {  	_ =	shalt  }
0x6c: {  	_ =	shalt  }
0x6d: {  	_ =	shalt  }
0x6e: {  	_ =	shalt  }
0x6f: {  	_ =	shalt  }
0x70: {  	_ =	shalt  }
0x71: {  	_ =	shalt  }
0x72: {  	_ =	shalt  }
0x73: {  	_ =	shalt  }
0x74: {  	_ =	shalt  }
0x75: {  	_ =	shalt  }
0x76: {  	_ =	shalt  }
0x77: {  	_ =	shalt  }
0x78: {  	_ =	shalt  }
0x79: {  	_ =	shalt  }
0x7a: {  	_ =	shalt  }
0x7b: {  	_ =	shalt  }
0x7c: {  	_ =	shalt  }
0x7d: {  	_ =	shalt  }
0x7e: {  	_ =	shalt  }
0x7f: {  	_ =	shalt  }
0x80: {  	_ =	shalt  }
0x81: {  	_ =	shalt  }
0x82: {  	_ =	shalt  }
0x83: {  	_ =	shalt  }
0x84: {  	_ =	shalt  }
0x85: {  	_ =	shalt  }
0x86: {  	_ =	shalt  }
0x87: {  	_ =	shalt  }
.Lfunc_end0:
.L_simem_size_0:
called_computation.2_lowered:
.L_overlay_start_0:
0x88: {  	s2 =	sld [smem:$0x3FD9]  }
0x89: {  	s3 =	sld [smem:$0x3FFE];
	_ =	sdelay $0x1  }
0x8a: {  	s1 =	srdreg.scid  }
0x8b: {  	s0 =	sand.u32 $0x1, s1  }
0x8c: {  	s16 =	sshll.u32 s0, $0xA;
	s2 =	sadd.s32 s3, s2  }
0x8d: {  	s2 =	sadd.s32 s2, s16  }
0x8e: {  	[smem:$0x3FB6] =	sst s2  }
0x8f: {  	_ = 	snop  }
0x90: {  	(tm) =	ssettm $0x1  }
0x91: {  	s17 =	sld [smem:$0x3FFB];
	_ =	sdelay $0x3  }
0x92: {  	_ =	strace s17  }
0x93: {  	s2 =	sld [smem:$0x3FFC];
	_ =	sdelay $0x3  }
0x94: {  	_ =	strace s2  }
0x95: {  	s2 =	sld [smem:$0x3FFD];
	_ =	sdelay $0x3  }
0x96: {  	_ =	strace s2  }
0x97: {  	_ =	strace $0x8FFFFFFF  }
0x98: {  	s18 =	sld [smem:$0x3FDB];
	_ =	sdelay $0x1  }
0x99: {  	s19 =	simm.s32 $_scs_section_size  }
0x9a: {  	s4 =	simm.s32 $_size__tile_overlayer_lowered;
	s5 =	simm.s32 $_tile_overlayer_lowered  }
0x9b: {  	s22 =	simm.s32 $0x1BFF;
	s21 =	sshll.u32 s5, $0x1;
	s2 =	sadd.s32 s19, s18  }
0x9c: {  	s6 =	simm.s32 $0x0;
	s20 =	sshll.u32 s4, $0x1;
	s4 =	sadd.s32 s21, s2  }
0x9d: {  	[timem:s6], [sflag:s22] =	dma.local [hbm:s4], s20  }
0x9e: {  	_ =	swait.ge [sflag:s22], s20  }
0x9f: {  	s3 =	ssub.s32 $0x0, s20;
	[sflag:s22] =	ssyncset.done $0x0  }
0xa0: {  	[sflag:s22] =	ssyncadd.s32 s3;
	_ =	sdelay $0x1  }
0xa1: {  	s23 =	simm.s32 $0x1B8B  }
0xa2: {  	_ =	swait.ge [sflag:s23], $0x1  }
0xa3: {  	[sflag:s23] =	ssyncset.done $0x0  }
0xa4: {  	s25 =	simm.s32 $0x1B8E;
	s24 =	sld [smem:$0x3FFE];
	[sflag:s23] =	ssyncadd.s32 $0xFFFFFFFF  }
0xa5: {  	s26 =	simm.s32 $execute0_lowered;
	[smem:$0x3FD2] =	sst s25  }
0xa6: {  	s4 =	sshll.u32 s26, $0x1;
	_ =	strace $0x8000004C;
	[dreg:$0x1] =	wrdreg $0xFFFFFFFF  }
0xa7: {  	s28 =	simm.s32 $_size_execute0_lowered;
	s2 =	sadd.s32 s2, s4;
	[dreg:$0x0] =	wrdreg $0x0  }
0xa8: {  	s4 =	sshll.u32 s28, $0x1;
	[dreg:$0x2] =	wrdreg s2  }
0xa9: {  	[dreg:$0x3] =	wrdreg s4  }
0xaa: {  	[dreg:$0x4] =	wrdreg $0xC0  }
0xab: {  	_ =	task [dreg:s6], $0x5FFFF  }
0xac: {  	[dreg:$0x1] =	wrdreg $0xFFFFFFFF  }
0xad: {  	[dreg:$0x0] =	wrdreg $0x60  }
0xae: {  	[dreg:$0x2] =	wrdreg s24  }
0xaf: {  	[dreg:$0x3] =	wrdreg $0x51000  }
0xb0: {  	[dreg:$0x4] =	wrdreg $0x9  }
0xb1: {  	_ =	task.clear_ibuf [dreg:s6], $0x5FFFF;
	_ =	strace $0x9000004C  }
0xb2: {  	s29 =	simm.s32 $0x9;
	_ =	strace $0x8000004E  }
0xb3: {  	_ =	swait.ge [sflag:s29], $0x1  }
0xb4: {  	[sflag:s29] =	ssyncadd.s32 $0xFFFFFFFF  }
0xb5: {  	_ =	strace $0x9000004E  }
0xb6: {  	_ =	sfence  }
0xb7: {  	s30 =	sld [smem:$0x0];
	_ =	sdelay $0x2  }
0xb8: {  	s31 =	sshll.u32 s1, $0xD;
	s1 =	sshrl.u32 s1, $0x2  }
0xb9: {  	s3 =	sand.u32 $0x4000, s31;
	s1 =	sadd.s32 s1, s30  }
0xba: {  	s0 =	sor.u32 s3, s0;
	s1 =	sshll.u32 s1, $0x11  }
0xbb: {  	s0 =	sor.u32 s1, s0  }
0xbc: {  	s0 =	sadd.s32 $0x8F2B, s0  }
0xbd: {  	[sflag:s0] =	ssyncadd.remote.s32 $0x1  }
0xbe: {  	_ =	sfence.sel $0xFFFF  }
0xbf: {  	[dreg:$0x0] =	wrdreg $0xFFFFFFFF;
	(pc) =	sbr.abs _section_cstart, $3  }
0xc0: {  	[dreg:$0x1] =	wrdreg $0xFFFFFFFF  }
0xc1: {  	_ =	task.clear_ibuf [dreg:s6], $0x2FFFF;
	_ =	strace $0x9FFFFFFF  }
0xc2: {  	(tm) =	ssettm $0x7FFFFFFF  }
0xc3: {  	_ =	shalt  }
tec
execute0_lowered:
.L_overlay_start_1:
0x0: {  	(tag) =	ssettag $0x1  }
0x1: {  	s10 =	rddreg [dreg:$0x0]  }
0x2: {  	s1 =	rddreg [dreg:$0x1]  }
0x3: {  	s0 =	rddreg [dreg:$0x2];
	s3 =	simm.s32 $0x0;
	s2 =	stileid.u32  }
0x4: {  	s7 =	srdreg.scid;
	s19 =	simm.s32 $0x50;
	s20 =	simm.s32 $0x100  }
0x5: {  	s21 =	simm.s32 $0x2900;
	s22 =	simm.s32 $0x1;
	s23 =	simm.s32 $0x2  }
0x6: {  	s29 =	simm.s32 $0x0;
	[smem:$0x7FF] =	sst s3;
	s4 =	sadd.s32 $0x2B400, s10  }
0x7: {  	s11 =	smul.u32 $0x13800, s2;
	s5 =	sadd.s32 $0x9DBE00, s10;
	s6 =	sadd.s32 $0x4F0000, s10  }
0x8: {  	s8 =	sand.u32 $0x1, s7;
	s7 =	sadd.s32 $0x4E6200, s10;
	s14 =	smul.u32 $0x4E000, s2  }
0x9: {  	s15 =	sadd.s32 $0x52600, s10;
	s24 =	sshll.u32 s2, $0x1;
	s28 =	sshll.u32 s2, $0x6  }
0xa: {  	s18 =	sadd.s32 $0x138000, s1;
	p0 =	sne.s32 s2, $0xF;
	_ =	strace $0x8000004D  }
0xb: {  	s12 =	ssub.s32 $0x2, s8;
	s26 =	smul.u32 $0x138800, s8;
	s9 =	sshrl.u32 s11, $0x3  }
0xc: {  	s13 =	sshrl.u32 s12, $0x1;
	s25 =	sshrl.u32 s14, $0x2;
	s9 =	sadd.s32 s9, s10  }
0xd: {  	s16 =	ssub.s32 s12, s13;
	s12 =	sor.u32 s8, s24;
	s17 =	sadd.s32 s25, s1  }
0xe: {  	s11 =	sadd.s32 s11, s26;
	s10 =	sadd.s32 $0x2B200, s10;
	s14 =	sshrl.u32 s26, $0x3  }
0xf: {  	s8 =	sadd.s32 $0x4200, s9;
	s9 =	sor.u32 $0x1C03, s28;
	s30 =	sshrl.u32 s11, $0x3  }
0x10: {  	s11 =	smul.u32 $0x2710, s12;
	s31 =	sadd.s32 s15, s14;
	s14 =	smax.u32 s16, $0x1  }
0x11: {  	s16 =	simm.s32 $0x3;
	s12 =	sadd.s32 s15, s30;
	s13 =	sadd.s32 $0x27000, s31  }
0x12: {  	s15 =	sshrl.u32 s17, $0x3;
	s17 =	sshrl.u32 @!p0 s18, $0x3;
	s18 =	simm.s32 $0x80  }
.LBB2_1:
0x13: {  	[spmem:s15], [sflag:s9] =	dma.local [hbm:s8], $0x2700  }
0x14: {  	_ =	swait.ge [sflag:s16], $0x2700  }
0x15: {  	[sflag:s16] =	ssyncset.done $0x0  }
0x16: {  	s24 =	simm.s32 @!p0 $0x3;
	[sflag:s16] =	ssyncadd.s32 $0xFFFFD900  }
0x17: {  	[spmem:s17], [sflag:s9] =	dma.local @!p0 [hbm:s10], $0x100  }
0x18: {  	_ =	swait.ge @!p0 [sflag:s24], $0x100  }
0x19: {  	[sflag:s24] =	ssyncset.done @!p0 $0x0  }
0x1a: {  	[sflag:s24] =	ssyncadd.s32 @!p0 $0xFFFFFF00  }
0x1b: {  	s24 =	simm.s32 $0x0;
	[bflag:$0x0] =	sbarrier.arrive $0xFFFF  }
.LBB2_2:
0x1c: {  	s25 =	smul.u32 $0x50, s24;
	_ =	sdelay $0x1  }
0x1d: {  	s25 =	sadd.s32 s11, s25  }
0x1e: {  	s26 =	sshrl.u32 s25, $0x3  }
0x1f: {  	s28 =	sadd.s32 s6, s26  }
0x20: {  	[tilespmem:s29], [sflag:$0x3] =	stream.linear.gather [hbm4b:s28+s29], $0x50, $0x38;
	[tilespmem:$0x18980] =	vst v63  }
0x21: {  	_ =	swait.ge [sflag:s16], $0x50  }
0x22: {  	[sflag:s16] =	ssyncset.done $0x0  }
0x23: {  	s26 =	sadd.s32 s7, s26;
	[sflag:s16] =	ssyncadd.s32 $0xFFFFFFB0  }
0x24: {  	[tilespmem:s18], [sflag:$0x3] =	stream.linear.gather [hbm4b:s26+s29], $0x50, $0x38;
	[tilespmem:$0x18980] =	vst v63  }
0x25: {  	_ =	swait.ge [sflag:s16], $0x50  }
0x26: {  	[sflag:s16] =	ssyncset.done $0x0  }
0x27: {  	s25 =	sshll.u32 s25, $0x4;
	[sflag:s16] =	ssyncadd.s32 $0xFFFFFFB0  }
0x28: {  	[tilespmem:s20], [sflag:$0x1] =	stream.indirect.gather [hbm4b:s4+s19], $0x80, s29, s19, $0xb8;
	[tilespmem:$0x18980] =	vst v63  }
0x29: {  	s25 =	sadd.s32 s5, s25  }
0x2a: {  	[tilespmem:s21], [sflag:$0x2] =	stream.linear.gather [hbm4b:s25+s29], $0x2800, $0x38;
	[tilespmem:$0x18980] =	vst v63  }
0x2b: {  	_ =	swait.ge [sflag:s22], $0x2800  }
0x2c: {  	[sflag:s22] =	ssyncset.done $0x0  }
0x2d: {  	[sflag:s22] =	ssyncadd.s32 $0xFFFFD800  }
0x2e: {  	_ =	swait.ge [sflag:s23], $0x2800  }
0x2f: {  	[sflag:s23] =	ssyncset.done $0x0  }
0x30: {  	s25 =	simm.s32 $0x0;
	[sflag:s23] =	ssyncadd.s32 $0xFFFFD800  }
0x31: {  	v6 =	vld [tilespmem:s25+$0x2900]  }
0x32: {  	v11 =	vld [tilespmem:s25+$0x2910]  }
0x33: {  	v5 =	vld [tilespmem:s25+$0x2920]  }
0x34: {  	v4 =	vld [tilespmem:s25+$0x2930]  }
0x35: {  	v3 =	vld [tilespmem:s25+$0x2940]  }
0x36: {  	v2 =	vld [tilespmem:s25+$0x2950]  }
0x37: {  	v1 =	vld [tilespmem:s25+$0x2960]  }
0x38: {  	v0 =	vld [tilespmem:s25+$0x2970]  }
0x39: {  	v12 =	vld [tilespmem:s25+$0x100]  }
0x3a: {  	v13 =	vld [tilespmem:s25+$0x110]  }
0x3b: {  	v10 =	vld [tilespmem:s25+$0x120]  }
0x3c: {  	v9 =	vld [tilespmem:s25+$0x130]  }
0x3d: {  	v8 =	vld [tilespmem:s25+$0x140]  }
0x3e: {  	v7 =	vld [tilespmem:s25+$0x150];
	v12 =	vadd.f32 v6, v12  }
0x3f: {  	s26 =	simm.s32 $0x200;
	v11 =	vadd.f32 v11, v13;
	v6 =	vld [tilespmem:s25+$0x160]  }
.LBB2_3:
0x40: {  	s28 =	sshra.s32 s26, $0x2;
	p1 =	sne.s32 s26, $0x9E00;
	v12 =	vmax.f32 v12, $0.0e+00;
	v5 =	vadd.f32 v5, v10;
	v10 =	vld [tilespmem:s25+$0x170]  }
0x41: {  	v13 =	vld [tilespmem:s28+$0x2900];
	[tilespmem:s25+$0x100] =	vst v12;
	v11 =	vmax.f32 v11, $0.0e+00;
	v4 =	vadd.f32 v4, v9  }
0x42: {  	v14 =	vld [tilespmem:s28+$0x2910];
	[tilespmem:s25+$0x110] =	vst v11;
	v9 =	vmax.f32 v5, $0.0e+00;
	v3 =	vadd.f32 v3, v8  }
0x43: {  	v5 =	vld [tilespmem:s28+$0x2920];
	[tilespmem:s25+$0x120] =	vst v9;
	v8 =	vmax.f32 v4, $0.0e+00;
	v2 =	vadd.f32 v2, v7  }
0x44: {  	v4 =	vld [tilespmem:s28+$0x2930];
	[tilespmem:s25+$0x130] =	vst v8;
	v7 =	vmax.f32 v3, $0.0e+00;
	v1 =	vadd.f32 v1, v6  }
0x45: {  	v3 =	vld [tilespmem:s28+$0x2940];
	[tilespmem:s25+$0x140] =	vst v7;
	v6 =	vmax.f32 v2, $0.0e+00;
	v0 =	vadd.f32 v0, v10  }
0x46: {  	v2 =	vld [tilespmem:s28+$0x2950];
	[tilespmem:s25+$0x150] =	vst v6;
	v6 =	vmax.f32 v1, $0.0e+00  }
0x47: {  	v1 =	vld [tilespmem:s28+$0x2960];
	[tilespmem:s25+$0x160] =	vst v6;
	v6 =	vmax.f32 v0, $0.0e+00  }
0x48: {  	v0 =	vld [tilespmem:s28+$0x2970];
	[tilespmem:s25+$0x170] =	vst v6;
	s25 =	smov.u32 s28  }
0x49: {  	v6 =	vld [tilespmem:s25+$0x100]  }
0x4a: {  	v11 =	vld [tilespmem:s25+$0x110]  }
.Ltmp0:
0x4b: {  	v10 =	vld [tilespmem:s25+$0x120];
	(pc) =	sbr.rel @p1 .LBB2_3-.Ltmp0, $4  }
0x4c: {  	v9 =	vld [tilespmem:s25+$0x130]  }
0x4d: {  	v8 =	vld [tilespmem:s25+$0x140]  }
0x4e: {  	v12 =	vadd.f32 v13, v6;
	v7 =	vld [tilespmem:s25+$0x150]  }
0x4f: {  	s26 =	sadd.s32 $0x200, s26;
	v11 =	vadd.f32 v14, v11;
	v6 =	vld [tilespmem:s25+$0x160]  }
0x50: {  	v12 =	vmax.f32 v12, $0.0e+00;
	v5 =	vadd.f32 v5, v10;
	v63 =	vld [tilespmem:s25+$0x170]  }
0x51: {  	[tilespmem:s25+$0x100] =	vst v12;
	v11 =	vmax.f32 v11, $0.0e+00;
	v4 =	vadd.f32 v4, v9  }
0x52: {  	[tilespmem:s25+$0x110] =	vst v11;
	v5 =	vmax.f32 v5, $0.0e+00;
	v3 =	vadd.f32 v3, v8  }
0x53: {  	[tilespmem:s25+$0x120] =	vst v5;
	v4 =	vmax.f32 v4, $0.0e+00;
	v2 =	vadd.f32 v2, v7  }
0x54: {  	[tilespmem:s25+$0x130] =	vst v4;
	v3 =	vmax.f32 v3, $0.0e+00;
	v1 =	vadd.f32 v1, v6  }
0x55: {  	[tilespmem:s25+$0x140] =	vst v3;
	v2 =	vmax.f32 v2, $0.0e+00;
	v0 =	vadd.f32 v0, v63  }
0x56: {  	s24 =	sadd.s32 $0x1, s24;
	[tilespmem:s25+$0x150] =	vst v2;
	v1 =	vmax.f32 v1, $0.0e+00  }
0x57: {  	p1 =	sne.s32 s24, $0x7D;
	[tilespmem:s25+$0x160] =	vst v1;
	v0 =	vmax.f32 v0, $0.0e+00  }
.Ltmp1:
0x58: {  	[tilespmem:s25+$0x170] =	vst v0;
	(pc) =	sbr.rel @p1 .LBB2_2-.Ltmp1, $4  }
0x59: {  	[spmem:s1] =	stream.indirect.scatter.add.f32 [tilespmem:s20], [sflag:$0x3], $0x80, s18, s19, $0xb8;
	[tilespmem:$0x18980] =	vst v63  }
0x5a: {  	_ =	swait.ge [sflag:s16], $0x2800  }
0x5b: {  	[sflag:s16] =	ssyncset.done $0x0  }
0x5c: {  	[sflag:s16] =	ssyncadd.s32 $0xFFFFD800  }
0x5d: {  	[bflag:$0x0] =	sbarrier.arrive $0xFFFF  }
0x5e: {  	[hbm:s12], [sflag:s9] =	dma.local [spmem:s15], $0x2700  }
0x5f: {  	s3 =	sadd.s32 $0x1, s3;
	_ =	swait.ge [sflag:s16], $0x2700  }
0x60: {  	p1 =	sne.s32 s3, s14;
	[sflag:s16] =	ssyncset.done $0x0  }
.Ltmp2:
0x61: {  	s24 =	simm.s32 @!p0 $0x3;
	[sflag:s16] =	ssyncadd.s32 $0xFFFFD900;
	(pc) =	sbr.rel @p1 .LBB2_1-.Ltmp2, $4  }
0x62: {  	[hbm:s13], [sflag:s9] =	dma.local @!p0 [spmem:s17], $0x100  }
0x63: {  	_ =	swait.ge @!p0 [sflag:s24], $0x100  }
0x64: {  	[sflag:s24] =	ssyncset.done @!p0 $0x0  }
0x65: {  	[sflag:s24] =	ssyncadd.s32 @!p0 $0xFFFFFF00  }
0x66: {  	_ =	sfence.sel $0x180000  }
0x67: {  	[bflag:$0x0] =	sbarrier.arrive $0xFFFF  }
0x68: {  	p0 =	sne.s32 s2, $0x0;
	_ =	strace $0x9000004D  }
0x69: {  	s0 =	sadd.s32 @!p0 $0x100000, s0;
	[bflag:$0x2] =	sbarrier.arrive $0xFFFF  }
0x6a: {  	[sflag:s0] =	ssyncadd.tile.s32 @!p0 $0x1;
	_ =	shalt  }
.Lfunc_end2:
_tile_overlayer_lowered:
.L_overlay_start_2:
0x6b: {  	(tag) =	ssettag $0x2  }
0x6c: {  	s0 =	rddreg [dreg:$0x0];
	s2 =	stileid.u32  }
0x6d: {  	s1 =	rddreg [dreg:$0x1];
	p0 =	sne.s32 s2, $0x0  }
0x6e: {  	s3 =	rddreg [dreg:$0x2];
	[bflag:$0x3] =	sbarrier.arrive $0xFFFF;
	s2 =	simm.s32 @!p0 $0x1C03  }
0x6f: {  	[timem:s3], [sflag:s2] =	dma.local @!p0 [hbm:s0], s1  }
0x70: {  	s0 =	simm.s32 @!p0 $0x3  }
0x71: {  	_ =	swait.ge @!p0 [sflag:s0], s1  }
0x72: {  	s1 =	ssub.s32 @!p0 $0x0, s1;
	[sflag:s0] =	ssyncset.done @!p0 $0x0  }
0x73: {  	[sflag:s0] =	ssyncadd.s32 @!p0 s1  }
0x74: {  	[bflag:$0x3] =	sbarrier.arrive $0xFFFF  }
0x75: {  	_ =	shalt  }

</sc_bundles>
